<compile_context>
chip_gen: v7x
topology: tpu7x:2x2x1
jax: 0.10.2.dev20260603
libtpu: 0.0.44.dev20260713+nightly
codegen_flags: <defaults>
</compile_context>

<pallas_src>
import functools

import jax
import jax.numpy as jnp
from jax import lax
from jax.experimental import pallas as pl
from jax.experimental.pallas import tpu as pltpu
from jax.experimental.pallas import tpu_sc as plsc

OBS_DIM = 512
ACTION_DIM = 64
N_AGENTS = 8
HIDDEN_DIM = 1024
ASP_DIM = 256
ASP_HIDDEN = 512

BM = 512
OUT_COLS = 80
NCHUNK = 4


def _fused_body(sb_ref, sa_ref, rs_ref, re_ref, fi_ref, la_ref,
                x_ref, W1_ref, b1_ref, W2_ref, b2_ref,
                Wa1_ref, ba1_ref, Wa2_ref, ba2_ref,
                Wv_ref, bv_ref, Wp1_ref, bp1_ref, Wp2_ref, bp2_ref,
                out_l_ref, out_v_ref, h_scr, f_scr):
    f32 = jnp.float32
    bf = jnp.bfloat16
    s = pl.program_id(0)
    is_first = fi_ref[s] == 1
    is_last = la_ref[s] == 1

    @pl.when(is_first)
    def _():
        x = x_ref[...].astype(bf)
        h1 = jnp.maximum(jnp.dot(x, W1_ref[...], preferred_element_type=f32) + b1_ref[...], 0.0)
        h_scr[...] = jnp.maximum(
            jnp.dot(h1.astype(bf), W2_ref[...], preferred_element_type=f32) + b2_ref[...], 0.0)

    h = h_scr[...]
    hb = h.astype(bf)
    a1 = jnp.maximum(jnp.dot(hb, Wa1_ref[0], preferred_element_type=f32) + ba1_ref[0], 0.0)
    fc = jnp.dot(a1.astype(bf), Wa2_ref[0], preferred_element_type=f32) + ba2_ref[0]
    rows = lax.broadcasted_iota(jnp.int32, (BM, 1), 0)
    inband = (rows >= rs_ref[s]) & (rows < re_ref[s])
    fc = jnp.where(inband, fc, 0.0)

    @pl.when(is_first)
    def _():
        f_scr[...] = fc

    @pl.when(jnp.logical_not(is_first))
    def _():
        f_scr[...] = f_scr[...] + fc

    @pl.when(is_last)
    def _():
        f = f_scr[...]
        fb = f.astype(bf)
        p1 = jnp.maximum(
            jnp.dot(hb, Wp1_ref[:HIDDEN_DIM, :], preferred_element_type=f32)
            + jnp.dot(fb, Wp1_ref[HIDDEN_DIM:, :], preferred_element_type=f32)
            + bp1_ref[...], 0.0)
        logits = jnp.dot(p1.astype(bf), Wp2_ref[...], preferred_element_type=f32) + bp2_ref[...]
        value = (jnp.sum(h * Wv_ref[:, :HIDDEN_DIM], axis=1, keepdims=True)
                 + jnp.sum(f * Wv_ref[:, HIDDEN_DIM:], axis=1, keepdims=True)
                 + bv_ref[0])
        out_l_ref[...] = logits
        out_v_ref[...] = jnp.broadcast_to(value, (value.shape[0], 8))


def _fused_net(x_sorted, sched, W1, b1, W2, b2, Wa1, ba1, Wa2, ba2,
               Wv, bv, Wp1, bp1, Wp2, bp2, *, interpret=False):
    m = x_sorted.shape[0]
    n_steps = m // BM + N_AGENTS - 1
    sb, sa, rs, re, fi, la = sched
    grid_spec = pltpu.PrefetchScalarGridSpec(
        num_scalar_prefetch=6,
        grid=(n_steps,),
        in_specs=[
            pl.BlockSpec((BM, OBS_DIM), lambda i, sb, sa, *_: (sb[i], 0)),
            pl.BlockSpec((OBS_DIM, HIDDEN_DIM), lambda i, *_: (0, 0)),
            pl.BlockSpec((1, HIDDEN_DIM), lambda i, *_: (0, 0)),
            pl.BlockSpec((HIDDEN_DIM, HIDDEN_DIM), lambda i, *_: (0, 0)),
            pl.BlockSpec((1, HIDDEN_DIM), lambda i, *_: (0, 0)),
            pl.BlockSpec((1, HIDDEN_DIM, ASP_HIDDEN), lambda i, sb, sa, *_: (sa[i], 0, 0)),
            pl.BlockSpec((1, 1, ASP_HIDDEN), lambda i, sb, sa, *_: (sa[i], 0, 0)),
            pl.BlockSpec((1, ASP_HIDDEN, ASP_DIM), lambda i, sb, sa, *_: (sa[i], 0, 0)),
            pl.BlockSpec((1, 1, ASP_DIM), lambda i, sb, sa, *_: (sa[i], 0, 0)),
            pl.BlockSpec((1, HIDDEN_DIM + ASP_DIM), lambda i, *_: (0, 0)),
            pl.BlockSpec(memory_space=pltpu.SMEM),
            pl.BlockSpec((HIDDEN_DIM + ASP_DIM, HIDDEN_DIM), lambda i, *_: (0, 0)),
            pl.BlockSpec((1, HIDDEN_DIM), lambda i, *_: (0, 0)),
            pl.BlockSpec((HIDDEN_DIM, ACTION_DIM), lambda i, *_: (0, 0)),
            pl.BlockSpec((1, ACTION_DIM), lambda i, *_: (0, 0)),
        ],
        out_specs=[pl.BlockSpec((BM, ACTION_DIM), lambda i, sb, sa, *_: (sb[i], 0)),
                   pl.BlockSpec((BM, 8), lambda i, sb, sa, *_: (sb[i], 0))],
        scratch_shapes=[pltpu.VMEM((BM, HIDDEN_DIM), jnp.float32),
                        pltpu.VMEM((BM, ASP_DIM), jnp.float32)],
    )
    return pl.pallas_call(
        _fused_body,
        grid_spec=grid_spec,
        out_shape=[jax.ShapeDtypeStruct((m, ACTION_DIM), jnp.float32),
                   jax.ShapeDtypeStruct((m, 8), jnp.float32)],
        interpret=interpret,
    )(sb, sa, rs, re, fi, la, x_sorted,
      W1.astype(jnp.bfloat16), b1.reshape(1, -1),
      W2.astype(jnp.bfloat16), b2.reshape(1, -1),
      Wa1.astype(jnp.bfloat16), ba1.reshape(N_AGENTS, 1, ASP_HIDDEN),
      Wa2.astype(jnp.bfloat16), ba2.reshape(N_AGENTS, 1, ASP_DIM),
      Wv.reshape(1, -1), bv,
      Wp1.astype(jnp.bfloat16), bp1.reshape(1, -1),
      Wp2.astype(jnp.bfloat16), bp2.reshape(1, -1))


def _routing_body(ids_ref, dest_ref, padded_ref):
    f32 = jnp.float32
    ids = ids_ref[...]
    r_lt_c = (lax.broadcasted_iota(jnp.int32, (128, 128), 0)
              < lax.broadcasted_iota(jnp.int32, (128, 128), 1)).astype(f32)
    masks = []
    prefs = []
    row_counts = []
    for a in range(N_AGENTS):
        m_a = (ids == a).astype(f32)
        p_a = jnp.dot(m_a, r_lt_c, preferred_element_type=f32, precision=lax.Precision.DEFAULT)
        masks.append(m_a)
        prefs.append(p_a)
        row_counts.append(p_a[:, 127:128] + m_a[:, 127:128])
    cmat = jnp.concatenate(row_counts, axis=1)
    c_lt_r = (lax.broadcasted_iota(jnp.int32, (128, 128), 1)
              < lax.broadcasted_iota(jnp.int32, (128, 128), 0)).astype(f32)
    cex = jnp.dot(c_lt_r, cmat, preferred_element_type=f32, precision=lax.Precision.DEFAULT)
    tot = cex[127:128, :] + cmat[127:128, :]
    a_lt_b = (lax.broadcasted_iota(jnp.int32, (N_AGENTS, N_AGENTS), 0)
              < lax.broadcasted_iota(jnp.int32, (N_AGENTS, N_AGENTS), 1)).astype(f32)
    coff = jnp.dot(tot, a_lt_b, preferred_element_type=f32)
    base = cex + coff
    dest = jnp.zeros((128, 128), f32)
    for a in range(N_AGENTS):
        dest = dest + masks[a] * (prefs[a] + base[:, a:a + 1])
    dest_ref[...] = dest.astype(jnp.int32)
    padded_ref[...] = tot.astype(jnp.int32)


def _routing(ids, *, interpret=False):
    dest2, counts = pl.pallas_call(
        _routing_body,
        grid=(1,),
        in_specs=[pl.BlockSpec((128, 128), lambda i: (0, 0))],
        out_specs=[pl.BlockSpec((128, 128), lambda i: (0, 0)),
                   pl.BlockSpec((1, N_AGENTS), lambda i: (0, 0))],
        out_shape=[jax.ShapeDtypeStruct((128, 128), jnp.int32),
                   jax.ShapeDtypeStruct((1, N_AGENTS), jnp.int32)],
        interpret=interpret,
    )(ids.reshape(128, 128))
    return dest2.reshape(-1), counts[0]


def _schedule(counts, m):
    nb = m // BM
    n_steps = nb + N_AGENTS - 1
    ends = jnp.cumsum(counts)
    starts = ends - counts
    blk0 = jnp.arange(nb, dtype=jnp.int32) * BM
    ov_lo = jnp.maximum(starts[None, :], blk0[:, None])
    ov_hi = jnp.minimum(ends[None, :], (blk0 + BM)[:, None])
    v = (ov_hi > ov_lo)
    vf = v.reshape(-1)
    pos = jnp.where(vf, jnp.cumsum(vf.astype(jnp.int32)) - 1, n_steps)
    bidx = (jnp.arange(nb * N_AGENTS, dtype=jnp.int32) // N_AGENTS)
    aidx = (jnp.arange(nb * N_AGENTS, dtype=jnp.int32) % N_AGENTS)
    csl = jnp.cumsum(v.astype(jnp.int32), axis=1)
    first2 = (v & (csl == 1)).reshape(-1)
    csr = jnp.cumsum(v[:, ::-1].astype(jnp.int32), axis=1)[:, ::-1]
    last2 = (v & (csr == 1)).reshape(-1)
    rs2 = jnp.clip(ov_lo - blk0[:, None], 0, BM).reshape(-1)
    re2 = jnp.clip(ov_hi - blk0[:, None], 0, BM).reshape(-1)

    def put(vals, fill):
        return jnp.full((n_steps,), fill, jnp.int32).at[pos].set(
            vals.astype(jnp.int32), mode='drop')
    return (put(bidx, nb - 1), put(aidx, N_AGENTS - 1), put(rs2, 0),
            put(re2, 0), put(first2, 0), put(last2, 0))


NC = 2
NS = 16
NW = NC * NS
SC_CHUNK = 128


def _sc_scatter_rows(x, dest3, m_pad):
    m, d = x.shape
    n_chunk = m // (NW * SC_CHUNK)
    mesh = plsc.VectorSubcoreMesh(core_axis_name="c", subcore_axis_name="s")

    @functools.partial(
        pl.kernel, mesh=mesh,
        out_type=jax.ShapeDtypeStruct((m_pad, d), jnp.float32),
        scratch_types=[
            pltpu.VMEM((SC_CHUNK,), jnp.int32),
            pltpu.VMEM((SC_CHUNK, d), jnp.float32),
            pltpu.SemaphoreType.DMA,
        ],
    )
    def k(x_hbm, dest_hbm, out_hbm, idx_v, rows_v, sem):
        wid = lax.axis_index("s") * NC + lax.axis_index("c")
        for j in range(n_chunk):
            base = (wid * n_chunk + j) * SC_CHUNK
            pltpu.sync_copy(dest_hbm.at[wid, j], idx_v)
            pltpu.sync_copy(x_hbm.at[pl.ds(base, SC_CHUNK)], rows_v)
            pltpu.async_copy(rows_v, out_hbm.at[idx_v], sem).wait()

    return k(x, dest3)


def kernel(obs, agent_ids, W1, b1, W2, b2, Wa1, ba1, Wa2, ba2, Wv, bv, Wp1, bp1, Wp2, bp2):
    b, n, o = obs.shape
    m = b * n
    x = obs.reshape(m, o)
    ids = agent_ids.reshape(m).astype(jnp.int32)

    dest, counts = _routing(ids)
    sched = _schedule(counts, m)

    n_chunk = m // (NW * SC_CHUNK)
    x_sorted = _sc_scatter_rows(x, dest.reshape(NW, n_chunk, SC_CHUNK), m)
    logits_s, vals_s = _fused_net(x_sorted, sched, W1, b1, W2, b2, Wa1, ba1, Wa2, ba2,
                                  Wv, bv, Wp1, bp1, Wp2, bp2)
    logits = jnp.take(logits_s, dest, axis=0, mode='clip').reshape(b, n, ACTION_DIM)
    values = jnp.take(vals_s[:, 0], dest, mode='clip').reshape(b, n)
    return (values, logits)

# --- scband reference (transcript-rebuilt; emitter-appended) ---
"""Pipeline reference for scband-cdsnetwork-48722109006622 (READ-ONLY COPY).

The authoritative reference and input builder live on the scoring server;
editing this copy changes nothing except your own understanding.
"""

import jax, jax.numpy as jnp
import numpy as np

OBS_DIM = 512
ACTION_DIM = 64
N_AGENTS = 8
HIDDEN_DIM = 1024
ASP_DIM = 256
ASP_HIDDEN = 512
B = 2048
N = 8


def setup_inputs(seed: int = 0) -> dict:
    key = jax.random.key(seed)
    ks = jax.random.split(key, 20)
    s = 0.02
    inp = {}
    inp['obs'] = jax.random.normal(ks[0], (B, N, OBS_DIM), dtype=jnp.float32)
    inp['agent_ids'] = jax.random.randint(ks[1], (B, N), 0, N_AGENTS, dtype=jnp.int64 if jax.config.jax_enable_x64 else jnp.int32)
    # shared encoder
    inp['W1'] = jax.random.normal(ks[2], (OBS_DIM, HIDDEN_DIM), dtype=jnp.float32) * s
    inp['b1'] = jnp.zeros((HIDDEN_DIM,), dtype=jnp.float32)
    inp['W2'] = jax.random.normal(ks[3], (HIDDEN_DIM, HIDDEN_DIM), dtype=jnp.float32) * s
    inp['b2'] = jnp.zeros((HIDDEN_DIM,), dtype=jnp.float32)
    # agent-specific modules (stacked)
    inp['Wa1'] = jax.random.normal(ks[4], (N_AGENTS, HIDDEN_DIM, ASP_HIDDEN), dtype=jnp.float32) * s
    inp['ba1'] = jnp.zeros((N_AGENTS, ASP_HIDDEN), dtype=jnp.float32)
    inp['Wa2'] = jax.random.normal(ks[5], (N_AGENTS, ASP_HIDDEN, ASP_DIM), dtype=jnp.float32) * s
    inp['ba2'] = jnp.zeros((N_AGENTS, ASP_DIM), dtype=jnp.float32)
    # heads
    inp['Wv'] = jax.random.normal(ks[6], (HIDDEN_DIM + ASP_DIM, 1), dtype=jnp.float32) * s
    inp['bv'] = jnp.zeros((1,), dtype=jnp.float32)
    inp['Wp1'] = jax.random.normal(ks[7], (HIDDEN_DIM + ASP_DIM, HIDDEN_DIM), dtype=jnp.float32) * s
    inp['bp1'] = jnp.zeros((HIDDEN_DIM,), dtype=jnp.float32)
    inp['Wp2'] = jax.random.normal(ks[8], (HIDDEN_DIM, ACTION_DIM), dtype=jnp.float32) * s
    inp['bp2'] = jnp.zeros((ACTION_DIM,), dtype=jnp.float32)
    return inp


def reference(obs, agent_ids, W1, b1, W2, b2, Wa1, ba1, Wa2, ba2, Wv, bv, Wp1, bp1, Wp2, bp2):
    b, n, o = obs.shape
    x = obs.reshape(-1, o)
    ids = agent_ids.reshape(-1)
    # shared encoder
    h = jax.nn.relu(x @ W1 + b1)
    h = jax.nn.relu(h @ W2 + b2)
    # agent-specific modules: route each token to its agent's MLP
    asf = jnp.zeros((h.shape[0], Wa2.shape[-1]), dtype=h.dtype)
    for a in range(Wa1.shape[0]):
        f = jax.nn.relu(h @ Wa1[a] + ba1[a]) @ Wa2[a] + ba2[a]
        asf = jnp.where((ids == a)[:, None], f, asf)
    comb = jnp.concatenate([h, asf], axis=-1)
    value = (comb @ Wv + bv)[:, 0]
    logits = jax.nn.relu(comb @ Wp1 + bp1) @ Wp2 + bp2
    values = value.reshape(b, n)
    logits = logits.reshape(b, n, -1)
    return (values, logits)

if __name__ == "__main__":
    import jax
    _d = setup_inputs()
    print(jax.jit(kernel)(*tuple(_d.values())))

</pallas_src>

<mosaic_0001>
#map = affine_map<(d0, d1) -> (0, 0)>
#map1 = affine_map<(d0, d1) -> (0, 0, 0)>
module attributes {stable_mosaic.version = 14 : i64} {
  func.func @k(%arg0: i32, %arg1: i32, %arg2: memref<16384x512xf32, #tpu.memory_space<hbm>>, %arg3: memref<32x4x128xi32, #tpu.memory_space<hbm>>, %arg4: memref<16384x512xf32, #tpu.memory_space<hbm>>, %arg5: memref<128xi32, #tpu.memory_space<vmem>>, %arg6: memref<128x512xf32, #tpu.memory_space<vmem>>, %arg7: memref<!tpu.dma_semaphore, #tpu.memory_space<semaphore_mem>>) attributes {dimension_semantics = [#tpu.dimension_semantics<core_parallel>, #tpu.dimension_semantics<subcore_parallel>], iteration_bounds = array<i64: 2, 16>, scalar_prefetch = 0 : i64, scratch_operands = 3 : i64, tpu.core_type = #tpu.core_type<sc_vector_subcore>, window_params = [{transform_indices = #map}, {transform_indices = #map1}, {transform_indices = #map}]} {
    %mul3A = arith.constant 2 : i32
    %mul3A_0 = arith.muli %arg1, %mul3A : i32
    %add3A = arith.addi %mul3A_0, %arg0 : i32
    %mul3A_1 = arith.constant 4 : i32
    %mul3A_2 = arith.muli %add3A, %mul3A_1 : i32
    %add3A_3 = arith.constant 0 : i32
    %add3A_4 = arith.addi %mul3A_2, %add3A_3 : i32
    %mul3A_5 = arith.constant 128 : i32
    %mul3A_6 = arith.muli %add3A_4, %mul3A_5 : i32
    %run_scoped3A = arith.constant 0 : i32
    "tpu.region"() ({
      %run_scoped3A_50 = tpu.sem_alloc : memref<!tpu.dma_semaphore, #tpu.memory_space<semaphore_mem>>
      %dma_start3A_51 = arith.constant 0 : i32
      %dma_start3A_52 = tpu.memref_slice %arg3[%add3A, %run_scoped3A, %dma_start3A_51] : memref<32x4x128xi32, #tpu.memory_space<hbm>> -> memref<1x1x128xi32, #tpu.memory_space<hbm>>
      %dma_start3A_53 = tpu.memref_squeeze %dma_start3A_52 : memref<1x1x128xi32, #tpu.memory_space<hbm>> -> memref<128xi32, #tpu.memory_space<hbm>>
      %dma_start3A_54 = arith.constant 0 : i32
      %dma_start3A_55 = tpu.memref_slice %arg3[%add3A, %run_scoped3A, %dma_start3A_54] : memref<32x4x128xi32, #tpu.memory_space<hbm>> -> memref<1x1x128xi32, #tpu.memory_space<hbm>>
      %dma_start3A_56 = tpu.memref_squeeze %dma_start3A_55 : memref<1x1x128xi32, #tpu.memory_space<hbm>> -> memref<128xi32, #tpu.memory_space<hbm>>
      tpu.enqueue_dma source(%dma_start3A_56 : memref<128xi32, #tpu.memory_space<hbm>>) target(%arg5 : memref<128xi32, #tpu.memory_space<vmem>>) target_semaphore(%run_scoped3A_50 : memref<!tpu.dma_semaphore, #tpu.memory_space<semaphore_mem>>)
      %dma_wait3A_57 = arith.constant 0 : i32
      %dma_wait3A_58 = tpu.memref_slice %arg3[%add3A, %run_scoped3A, %dma_wait3A_57] : memref<32x4x128xi32, #tpu.memory_space<hbm>> -> memref<1x1x128xi32, #tpu.memory_space<hbm>>
      %dma_wait3A_59 = tpu.memref_squeeze %dma_wait3A_58 : memref<1x1x128xi32, #tpu.memory_space<hbm>> -> memref<128xi32, #tpu.memory_space<hbm>>
      %dma_wait3A_60 = arith.constant 0 : i32
      %dma_wait3A_61 = tpu.memref_slice %arg3[%add3A, %run_scoped3A, %dma_wait3A_60] : memref<32x4x128xi32, #tpu.memory_space<hbm>> -> memref<1x1x128xi32, #tpu.memory_space<hbm>>
      %dma_wait3A_62 = tpu.memref_squeeze %dma_wait3A_61 : memref<1x1x128xi32, #tpu.memory_space<hbm>> -> memref<128xi32, #tpu.memory_space<hbm>>
      tpu.wait_dma2 semaphore(%run_scoped3A_50 : memref<!tpu.dma_semaphore, #tpu.memory_space<semaphore_mem>>) src(%dma_wait3A_62 : memref<128xi32, #tpu.memory_space<hbm>>) dst(%arg5 : memref<128xi32, #tpu.memory_space<vmem>>)
      tpu.yield
    }) : () -> ()
    "tpu.region"() ({
      %run_scoped3A_50 = tpu.sem_alloc : memref<!tpu.dma_semaphore, #tpu.memory_space<semaphore_mem>>
      %dma_start3A_51 = arith.constant 0 : i32
      %dma_start3A_52 = tpu.memref_slice %arg2[%mul3A_6, %dma_start3A_51] : memref<16384x512xf32, #tpu.memory_space<hbm>> -> memref<128x512xf32, #tpu.memory_space<hbm>>
      %dma_start3A_53 = arith.constant 0 : i32
      %dma_start3A_54 = tpu.memref_slice %arg2[%mul3A_6, %dma_start3A_53] : memref<16384x512xf32, #tpu.memory_space<hbm>> -> memref<128x512xf32, #tpu.memory_space<hbm>>
      tpu.enqueue_dma source(%dma_start3A_54 : memref<128x512xf32, #tpu.memory_space<hbm>>) target(%arg6 : memref<128x512xf32, #tpu.memory_space<vmem>>) target_semaphore(%run_scoped3A_50 : memref<!tpu.dma_semaphore, #tpu.memory_space<semaphore_mem>>)
      %dma_wait3A_55 = arith.constant 0 : i32
      %dma_wait3A_56 = tpu.memref_slice %arg2[%mul3A_6, %dma_wait3A_55] : memref<16384x512xf32, #tpu.memory_space<hbm>> -> memref<128x512xf32, #tpu.memory_space<hbm>>
      %dma_wait3A_57 = arith.constant 0 : i32
      %dma_wait3A_58 = tpu.memref_slice %arg2[%mul3A_6, %dma_wait3A_57] : memref<16384x512xf32, #tpu.memory_space<hbm>> -> memref<128x512xf32, #tpu.memory_space<hbm>>
      tpu.wait_dma2 semaphore(%run_scoped3A_50 : memref<!tpu.dma_semaphore, #tpu.memory_space<semaphore_mem>>) src(%dma_wait3A_58 : memref<128x512xf32, #tpu.memory_space<hbm>>) dst(%arg6 : memref<128x512xf32, #tpu.memory_space<vmem>>)
      tpu.yield
    }) : () -> ()
    %dma_start3A = arith.constant 0 : i32
    %dma_start3A_7 = arith.constant 0 : i32
    %dma_start3A_8 = tpu.memref_slice %arg4[%dma_start3A, %dma_start3A_7] : memref<16384x512xf32, #tpu.memory_space<hbm>> -> memref<16384x512xf32, #tpu.memory_space<hbm>>
    tpu.enqueue_indirect_dma source(%arg6 : memref<128x512xf32, #tpu.memory_space<vmem>>) target(%dma_start3A_8 : memref<16384x512xf32, #tpu.memory_space<hbm>>) offsets(%arg5 : memref<128xi32, #tpu.memory_space<vmem>>) semaphore(%arg7 : memref<!tpu.dma_semaphore, #tpu.memory_space<semaphore_mem>>)
    %dma_wait3A = arith.constant 0 : i32
    %dma_wait3A_9 = arith.constant 0 : i32
    %dma_wait3A_10 = tpu.memref_slice %arg4[%dma_wait3A, %dma_wait3A_9] : memref<16384x512xf32, #tpu.memory_space<hbm>> -> memref<16384x512xf32, #tpu.memory_space<hbm>>
    tpu.wait_indirect_dma semaphore(%arg7 : memref<!tpu.dma_semaphore, #tpu.memory_space<semaphore_mem>>) src(%arg6 : memref<128x512xf32, #tpu.memory_space<vmem>>) dst(%dma_wait3A_10 : memref<16384x512xf32, #tpu.memory_space<hbm>>)
    %mul3A_11 = arith.constant 4 : i32
    %mul3A_12 = arith.muli %add3A, %mul3A_11 : i32
    %add3A_13 = arith.constant 1 : i32
    %add3A_14 = arith.addi %mul3A_12, %add3A_13 : i32
    %mul3A_15 = arith.constant 128 : i32
    %mul3A_16 = arith.muli %add3A_14, %mul3A_15 : i32
    %run_scoped3A_17 = arith.constant 1 : i32
    "tpu.region"() ({
      %run_scoped3A_50 = tpu.sem_alloc : memref<!tpu.dma_semaphore, #tpu.memory_space<semaphore_mem>>
      %dma_start3A_51 = arith.constant 0 : i32
      %dma_start3A_52 = tpu.memref_slice %arg3[%add3A, %run_scoped3A_17, %dma_start3A_51] : memref<32x4x128xi32, #tpu.memory_space<hbm>> -> memref<1x1x128xi32, #tpu.memory_space<hbm>>
      %dma_start3A_53 = tpu.memref_squeeze %dma_start3A_52 : memref<1x1x128xi32, #tpu.memory_space<hbm>> -> memref<128xi32, #tpu.memory_space<hbm>>
      %dma_start3A_54 = arith.constant 0 : i32
      %dma_start3A_55 = tpu.memref_slice %arg3[%add3A, %run_scoped3A_17, %dma_start3A_54] : memref<32x4x128xi32, #tpu.memory_space<hbm>> -> memref<1x1x128xi32, #tpu.memory_space<hbm>>
      %dma_start3A_56 = tpu.memref_squeeze %dma_start3A_55 : memref<1x1x128xi32, #tpu.memory_space<hbm>> -> memref<128xi32, #tpu.memory_space<hbm>>
      tpu.enqueue_dma source(%dma_start3A_56 : memref<128xi32, #tpu.memory_space<hbm>>) target(%arg5 : memref<128xi32, #tpu.memory_space<vmem>>) target_semaphore(%run_scoped3A_50 : memref<!tpu.dma_semaphore, #tpu.memory_space<semaphore_mem>>)
      %dma_wait3A_57 = arith.constant 0 : i32
      %dma_wait3A_58 = tpu.memref_slice %arg3[%add3A, %run_scoped3A_17, %dma_wait3A_57] : memref<32x4x128xi32, #tpu.memory_space<hbm>> -> memref<1x1x128xi32, #tpu.memory_space<hbm>>
      %dma_wait3A_59 = tpu.memref_squeeze %dma_wait3A_58 : memref<1x1x128xi32, #tpu.memory_space<hbm>> -> memref<128xi32, #tpu.memory_space<hbm>>
      %dma_wait3A_60 = arith.constant 0 : i32
      %dma_wait3A_61 = tpu.memref_slice %arg3[%add3A, %run_scoped3A_17, %dma_wait3A_60] : memref<32x4x128xi32, #tpu.memory_space<hbm>> -> memref<1x1x128xi32, #tpu.memory_space<hbm>>
      %dma_wait3A_62 = tpu.memref_squeeze %dma_wait3A_61 : memref<1x1x128xi32, #tpu.memory_space<hbm>> -> memref<128xi32, #tpu.memory_space<hbm>>
      tpu.wait_dma2 semaphore(%run_scoped3A_50 : memref<!tpu.dma_semaphore, #tpu.memory_space<semaphore_mem>>) src(%dma_wait3A_62 : memref<128xi32, #tpu.memory_space<hbm>>) dst(%arg5 : memref<128xi32, #tpu.memory_space<vmem>>)
      tpu.yield
    }) : () -> ()
    "tpu.region"() ({
      %run_scoped3A_50 = tpu.sem_alloc : memref<!tpu.dma_semaphore, #tpu.memory_space<semaphore_mem>>
      %dma_start3A_51 = arith.constant 0 : i32
      %dma_start3A_52 = tpu.memref_slice %arg2[%mul3A_16, %dma_start3A_51] : memref<16384x512xf32, #tpu.memory_space<hbm>> -> memref<128x512xf32, #tpu.memory_space<hbm>>
      %dma_start3A_53 = arith.constant 0 : i32
      %dma_start3A_54 = tpu.memref_slice %arg2[%mul3A_16, %dma_start3A_53] : memref<16384x512xf32, #tpu.memory_space<hbm>> -> memref<128x512xf32, #tpu.memory_space<hbm>>
      tpu.enqueue_dma source(%dma_start3A_54 : memref<128x512xf32, #tpu.memory_space<hbm>>) target(%arg6 : memref<128x512xf32, #tpu.memory_space<vmem>>) target_semaphore(%run_scoped3A_50 : memref<!tpu.dma_semaphore, #tpu.memory_space<semaphore_mem>>)
      %dma_wait3A_55 = arith.constant 0 : i32
      %dma_wait3A_56 = tpu.memref_slice %arg2[%mul3A_16, %dma_wait3A_55] : memref<16384x512xf32, #tpu.memory_space<hbm>> -> memref<128x512xf32, #tpu.memory_space<hbm>>
      %dma_wait3A_57 = arith.constant 0 : i32
      %dma_wait3A_58 = tpu.memref_slice %arg2[%mul3A_16, %dma_wait3A_57] : memref<16384x512xf32, #tpu.memory_space<hbm>> -> memref<128x512xf32, #tpu.memory_space<hbm>>
      tpu.wait_dma2 semaphore(%run_scoped3A_50 : memref<!tpu.dma_semaphore, #tpu.memory_space<semaphore_mem>>) src(%dma_wait3A_58 : memref<128x512xf32, #tpu.memory_space<hbm>>) dst(%arg6 : memref<128x512xf32, #tpu.memory_space<vmem>>)
      tpu.yield
    }) : () -> ()
    %dma_start3A_18 = arith.constant 0 : i32
    %dma_start3A_19 = arith.constant 0 : i32
    %dma_start3A_20 = tpu.memref_slice %arg4[%dma_start3A_18, %dma_start3A_19] : memref<16384x512xf32, #tpu.memory_space<hbm>> -> memref<16384x512xf32, #tpu.memory_space<hbm>>
    tpu.enqueue_indirect_dma source(%arg6 : memref<128x512xf32, #tpu.memory_space<vmem>>) target(%dma_start3A_20 : memref<16384x512xf32, #tpu.memory_space<hbm>>) offsets(%arg5 : memref<128xi32, #tpu.memory_space<vmem>>) semaphore(%arg7 : memref<!tpu.dma_semaphore, #tpu.memory_space<semaphore_mem>>)
    %dma_wait3A_21 = arith.constant 0 : i32
    %dma_wait3A_22 = arith.constant 0 : i32
    %dma_wait3A_23 = tpu.memref_slice %arg4[%dma_wait3A_21, %dma_wait3A_22] : memref<16384x512xf32, #tpu.memory_space<hbm>> -> memref<16384x512xf32, #tpu.memory_space<hbm>>
    tpu.wait_indirect_dma semaphore(%arg7 : memref<!tpu.dma_semaphore, #tpu.memory_space<semaphore_mem>>) src(%arg6 : memref<128x512xf32, #tpu.memory_space<vmem>>) dst(%dma_wait3A_23 : memref<16384x512xf32, #tpu.memory_space<hbm>>)
    %mul3A_24 = arith.constant 4 : i32
    %mul3A_25 = arith.muli %add3A, %mul3A_24 : i32
    %add3A_26 = arith.constant 2 : i32
    %add3A_27 = arith.addi %mul3A_25, %add3A_26 : i32
    %mul3A_28 = arith.constant 128 : i32
    %mul3A_29 = arith.muli %add3A_27, %mul3A_28 : i32
    %run_scoped3A_30 = arith.constant 2 : i32
    "tpu.region"() ({
      %run_scoped3A_50 = tpu.sem_alloc : memref<!tpu.dma_semaphore, #tpu.memory_space<semaphore_mem>>
      %dma_start3A_51 = arith.constant 0 : i32
      %dma_start3A_52 = tpu.memref_slice %arg3[%add3A, %run_scoped3A_30, %dma_start3A_51] : memref<32x4x128xi32, #tpu.memory_space<hbm>> -> memref<1x1x128xi32, #tpu.memory_space<hbm>>
      %dma_start3A_53 = tpu.memref_squeeze %dma_start3A_52 : memref<1x1x128xi32, #tpu.memory_space<hbm>> -> memref<128xi32, #tpu.memory_space<hbm>>
      %dma_start3A_54 = arith.constant 0 : i32
      %dma_start3A_55 = tpu.memref_slice %arg3[%add3A, %run_scoped3A_30, %dma_start3A_54] : memref<32x4x128xi32, #tpu.memory_space<hbm>> -> memref<1x1x128xi32, #tpu.memory_space<hbm>>
      %dma_start3A_56 = tpu.memref_squeeze %dma_start3A_55 : memref<1x1x128xi32, #tpu.memory_space<hbm>> -> memref<128xi32, #tpu.memory_space<hbm>>
      tpu.enqueue_dma source(%dma_start3A_56 : memref<128xi32, #tpu.memory_space<hbm>>) target(%arg5 : memref<128xi32, #tpu.memory_space<vmem>>) target_semaphore(%run_scoped3A_50 : memref<!tpu.dma_semaphore, #tpu.memory_space<semaphore_mem>>)
      %dma_wait3A_57 = arith.constant 0 : i32
      %dma_wait3A_58 = tpu.memref_slice %arg3[%add3A, %run_scoped3A_30, %dma_wait3A_57] : memref<32x4x128xi32, #tpu.memory_space<hbm>> -> memref<1x1x128xi32, #tpu.memory_space<hbm>>
      %dma_wait3A_59 = tpu.memref_squeeze %dma_wait3A_58 : memref<1x1x128xi32, #tpu.memory_space<hbm>> -> memref<128xi32, #tpu.memory_space<hbm>>
      %dma_wait3A_60 = arith.constant 0 : i32
      %dma_wait3A_61 = tpu.memref_slice %arg3[%add3A, %run_scoped3A_30, %dma_wait3A_60] : memref<32x4x128xi32, #tpu.memory_space<hbm>> -> memref<1x1x128xi32, #tpu.memory_space<hbm>>
      %dma_wait3A_62 = tpu.memref_squeeze %dma_wait3A_61 : memref<1x1x128xi32, #tpu.memory_space<hbm>> -> memref<128xi32, #tpu.memory_space<hbm>>
      tpu.wait_dma2 semaphore(%run_scoped3A_50 : memref<!tpu.dma_semaphore, #tpu.memory_space<semaphore_mem>>) src(%dma_wait3A_62 : memref<128xi32, #tpu.memory_space<hbm>>) dst(%arg5 : memref<128xi32, #tpu.memory_space<vmem>>)
      tpu.yield
    }) : () -> ()
    "tpu.region"() ({
      %run_scoped3A_50 = tpu.sem_alloc : memref<!tpu.dma_semaphore, #tpu.memory_space<semaphore_mem>>
      %dma_start3A_51 = arith.constant 0 : i32
      %dma_start3A_52 = tpu.memref_slice %arg2[%mul3A_29, %dma_start3A_51] : memref<16384x512xf32, #tpu.memory_space<hbm>> -> memref<128x512xf32, #tpu.memory_space<hbm>>
      %dma_start3A_53 = arith.constant 0 : i32
      %dma_start3A_54 = tpu.memref_slice %arg2[%mul3A_29, %dma_start3A_53] : memref<16384x512xf32, #tpu.memory_space<hbm>> -> memref<128x512xf32, #tpu.memory_space<hbm>>
      tpu.enqueue_dma source(%dma_start3A_54 : memref<128x512xf32, #tpu.memory_space<hbm>>) target(%arg6 : memref<128x512xf32, #tpu.memory_space<vmem>>) target_semaphore(%run_scoped3A_50 : memref<!tpu.dma_semaphore, #tpu.memory_space<semaphore_mem>>)
      %dma_wait3A_55 = arith.constant 0 : i32
      %dma_wait3A_56 = tpu.memref_slice %arg2[%mul3A_29, %dma_wait3A_55] : memref<16384x512xf32, #tpu.memory_space<hbm>> -> memref<128x512xf32, #tpu.memory_space<hbm>>
      %dma_wait3A_57 = arith.constant 0 : i32
      %dma_wait3A_58 = tpu.memref_slice %arg2[%mul3A_29, %dma_wait3A_57] : memref<16384x512xf32, #tpu.memory_space<hbm>> -> memref<128x512xf32, #tpu.memory_space<hbm>>
      tpu.wait_dma2 semaphore(%run_scoped3A_50 : memref<!tpu.dma_semaphore, #tpu.memory_space<semaphore_mem>>) src(%dma_wait3A_58 : memref<128x512xf32, #tpu.memory_space<hbm>>) dst(%arg6 : memref<128x512xf32, #tpu.memory_space<vmem>>)
      tpu.yield
    }) : () -> ()
    %dma_start3A_31 = arith.constant 0 : i32
    %dma_start3A_32 = arith.constant 0 : i32
    %dma_start3A_33 = tpu.memref_slice %arg4[%dma_start3A_31, %dma_start3A_32] : memref<16384x512xf32, #tpu.memory_space<hbm>> -> memref<16384x512xf32, #tpu.memory_space<hbm>>
    tpu.enqueue_indirect_dma source(%arg6 : memref<128x512xf32, #tpu.memory_space<vmem>>) target(%dma_start3A_33 : memref<16384x512xf32, #tpu.memory_space<hbm>>) offsets(%arg5 : memref<128xi32, #tpu.memory_space<vmem>>) semaphore(%arg7 : memref<!tpu.dma_semaphore, #tpu.memory_space<semaphore_mem>>)
    %dma_wait3A_34 = arith.constant 0 : i32
    %dma_wait3A_35 = arith.constant 0 : i32
    %dma_wait3A_36 = tpu.memref_slice %arg4[%dma_wait3A_34, %dma_wait3A_35] : memref<16384x512xf32, #tpu.memory_space<hbm>> -> memref<16384x512xf32, #tpu.memory_space<hbm>>
    tpu.wait_indirect_dma semaphore(%arg7 : memref<!tpu.dma_semaphore, #tpu.memory_space<semaphore_mem>>) src(%arg6 : memref<128x512xf32, #tpu.memory_space<vmem>>) dst(%dma_wait3A_36 : memref<16384x512xf32, #tpu.memory_space<hbm>>)
    %mul3A_37 = arith.constant 4 : i32
    %mul3A_38 = arith.muli %add3A, %mul3A_37 : i32
    %add3A_39 = arith.constant 3 : i32
    %add3A_40 = arith.addi %mul3A_38, %add3A_39 : i32
    %mul3A_41 = arith.constant 128 : i32
    %mul3A_42 = arith.muli %add3A_40, %mul3A_41 : i32
    %run_scoped3A_43 = arith.constant 3 : i32
    "tpu.region"() ({
      %run_scoped3A_50 = tpu.sem_alloc : memref<!tpu.dma_semaphore, #tpu.memory_space<semaphore_mem>>
      %dma_start3A_51 = arith.constant 0 : i32
      %dma_start3A_52 = tpu.memref_slice %arg3[%add3A, %run_scoped3A_43, %dma_start3A_51] : memref<32x4x128xi32, #tpu.memory_space<hbm>> -> memref<1x1x128xi32, #tpu.memory_space<hbm>>
      %dma_start3A_53 = tpu.memref_squeeze %dma_start3A_52 : memref<1x1x128xi32, #tpu.memory_space<hbm>> -> memref<128xi32, #tpu.memory_space<hbm>>
      %dma_start3A_54 = arith.constant 0 : i32
      %dma_start3A_55 = tpu.memref_slice %arg3[%add3A, %run_scoped3A_43, %dma_start3A_54] : memref<32x4x128xi32, #tpu.memory_space<hbm>> -> memref<1x1x128xi32, #tpu.memory_space<hbm>>
      %dma_start3A_56 = tpu.memref_squeeze %dma_start3A_55 : memref<1x1x128xi32, #tpu.memory_space<hbm>> -> memref<128xi32, #tpu.memory_space<hbm>>
      tpu.enqueue_dma source(%dma_start3A_56 : memref<128xi32, #tpu.memory_space<hbm>>) target(%arg5 : memref<128xi32, #tpu.memory_space<vmem>>) target_semaphore(%run_scoped3A_50 : memref<!tpu.dma_semaphore, #tpu.memory_space<semaphore_mem>>)
      %dma_wait3A_57 = arith.constant 0 : i32
      %dma_wait3A_58 = tpu.memref_slice %arg3[%add3A, %run_scoped3A_43, %dma_wait3A_57] : memref<32x4x128xi32, #tpu.memory_space<hbm>> -> memref<1x1x128xi32, #tpu.memory_space<hbm>>
      %dma_wait3A_59 = tpu.memref_squeeze %dma_wait3A_58 : memref<1x1x128xi32, #tpu.memory_space<hbm>> -> memref<128xi32, #tpu.memory_space<hbm>>
      %dma_wait3A_60 = arith.constant 0 : i32
      %dma_wait3A_61 = tpu.memref_slice %arg3[%add3A, %run_scoped3A_43, %dma_wait3A_60] : memref<32x4x128xi32, #tpu.memory_space<hbm>> -> memref<1x1x128xi32, #tpu.memory_space<hbm>>
      %dma_wait3A_62 = tpu.memref_squeeze %dma_wait3A_61 : memref<1x1x128xi32, #tpu.memory_space<hbm>> -> memref<128xi32, #tpu.memory_space<hbm>>
      tpu.wait_dma2 semaphore(%run_scoped3A_50 : memref<!tpu.dma_semaphore, #tpu.memory_space<semaphore_mem>>) src(%dma_wait3A_62 : memref<128xi32, #tpu.memory_space<hbm>>) dst(%arg5 : memref<128xi32, #tpu.memory_space<vmem>>)
      tpu.yield
    }) : () -> ()
    "tpu.region"() ({
      %run_scoped3A_50 = tpu.sem_alloc : memref<!tpu.dma_semaphore, #tpu.memory_space<semaphore_mem>>
      %dma_start3A_51 = arith.constant 0 : i32
      %dma_start3A_52 = tpu.memref_slice %arg2[%mul3A_42, %dma_start3A_51] : memref<16384x512xf32, #tpu.memory_space<hbm>> -> memref<128x512xf32, #tpu.memory_space<hbm>>
      %dma_start3A_53 = arith.constant 0 : i32
      %dma_start3A_54 = tpu.memref_slice %arg2[%mul3A_42, %dma_start3A_53] : memref<16384x512xf32, #tpu.memory_space<hbm>> -> memref<128x512xf32, #tpu.memory_space<hbm>>
      tpu.enqueue_dma source(%dma_start3A_54 : memref<128x512xf32, #tpu.memory_space<hbm>>) target(%arg6 : memref<128x512xf32, #tpu.memory_space<vmem>>) target_semaphore(%run_scoped3A_50 : memref<!tpu.dma_semaphore, #tpu.memory_space<semaphore_mem>>)
      %dma_wait3A_55 = arith.constant 0 : i32
      %dma_wait3A_56 = tpu.memref_slice %arg2[%mul3A_42, %dma_wait3A_55] : memref<16384x512xf32, #tpu.memory_space<hbm>> -> memref<128x512xf32, #tpu.memory_space<hbm>>
      %dma_wait3A_57 = arith.constant 0 : i32
      %dma_wait3A_58 = tpu.memref_slice %arg2[%mul3A_42, %dma_wait3A_57] : memref<16384x512xf32, #tpu.memory_space<hbm>> -> memref<128x512xf32, #tpu.memory_space<hbm>>
      tpu.wait_dma2 semaphore(%run_scoped3A_50 : memref<!tpu.dma_semaphore, #tpu.memory_space<semaphore_mem>>) src(%dma_wait3A_58 : memref<128x512xf32, #tpu.memory_space<hbm>>) dst(%arg6 : memref<128x512xf32, #tpu.memory_space<vmem>>)
      tpu.yield
    }) : () -> ()
    %dma_start3A_44 = arith.constant 0 : i32
    %dma_start3A_45 = arith.constant 0 : i32
    %dma_start3A_46 = tpu.memref_slice %arg4[%dma_start3A_44, %dma_start3A_45] : memref<16384x512xf32, #tpu.memory_space<hbm>> -> memref<16384x512xf32, #tpu.memory_space<hbm>>
    tpu.enqueue_indirect_dma source(%arg6 : memref<128x512xf32, #tpu.memory_space<vmem>>) target(%dma_start3A_46 : memref<16384x512xf32, #tpu.memory_space<hbm>>) offsets(%arg5 : memref<128xi32, #tpu.memory_space<vmem>>) semaphore(%arg7 : memref<!tpu.dma_semaphore, #tpu.memory_space<semaphore_mem>>)
    %dma_wait3A_47 = arith.constant 0 : i32
    %dma_wait3A_48 = arith.constant 0 : i32
    %dma_wait3A_49 = tpu.memref_slice %arg4[%dma_wait3A_47, %dma_wait3A_48] : memref<16384x512xf32, #tpu.memory_space<hbm>> -> memref<16384x512xf32, #tpu.memory_space<hbm>>
    tpu.wait_indirect_dma semaphore(%arg7 : memref<!tpu.dma_semaphore, #tpu.memory_space<semaphore_mem>>) src(%arg6 : memref<128x512xf32, #tpu.memory_space<vmem>>) dst(%dma_wait3A_49 : memref<16384x512xf32, #tpu.memory_space<hbm>>)
    return
  }
}

module attributes {stable_mosaic.version = 14 : i64} {
  func.func @_routing_body(%arg0: i32, %arg1: memref<128x128xi32, #tpu.memory_space<vmem>>, %arg2: memref<128x128xi32, #tpu.memory_space<vmem>>, %arg3: memref<1x8xi32, #tpu.memory_space<vmem>>) attributes {dimension_semantics = [#tpu.dimension_semantics<arbitrary>], iteration_bounds = array<i64: 1>, scalar_prefetch = 0 : i64, scratch_operands = 0 : i64, tpu.core_type = #tpu.core_type<tc>, window_params = [{pipeline_mode = #tpu.pipeline_mode<synchronous>, transform_indices = @transform_0, window_bounds = array<i64: 128, 128>}, {pipeline_mode = #tpu.pipeline_mode<synchronous>, transform_indices = @transform_1, window_bounds = array<i64: 128, 128>}, {pipeline_mode = #tpu.pipeline_mode<synchronous>, transform_indices = @transform_2, window_bounds = array<i64: 1, 8>}]} {
    %get3A = arith.constant 0 : index
    %get3A_0 = arith.constant 0 : index
    %get3A_1 = vector.load %arg1[%get3A, %get3A_0] : memref<128x128xi32, #tpu.memory_space<vmem>>, vector<128x128xi32>
    %iota3A = tpu.iota {dimensions = array<i32: 0>} : vector<128x128xi32>
    %iota3A_2 = tpu.iota {dimensions = array<i32: 1>} : vector<128x128xi32>
    %lt3A = arith.cmpi slt, %iota3A, %iota3A_2 : vector<128x128xi32>
    %convert_element_type3A = arith.extui %lt3A : vector<128x128xi1> to vector<128x128xi32>
    %convert_element_type3A_3 = arith.sitofp %convert_element_type3A : vector<128x128xi32> to vector<128x128xf32>
    %eq3A = arith.constant 0 : i32
    %eq3A_4 = vector.broadcast %eq3A : i32 to vector<128x128xi32>
    %eq3A_5 = arith.cmpi eq, %get3A_1, %eq3A_4 : vector<128x128xi32>
    %convert_element_type3A_6 = arith.extui %eq3A_5 : vector<128x128xi1> to vector<128x128xi32>
    %convert_element_type3A_7 = arith.sitofp %convert_element_type3A_6 : vector<128x128xi32> to vector<128x128xf32>
    %dot_general3A = arith.constant dense<0.000000e+00> : vector<128x128xf32>
    %dot_general3A_8 = tpu.matmul %convert_element_type3A_7, %convert_element_type3A_3, %dot_general3A {dimension_numbers = #tpu.dot_dimension_numbers<[1], [0], [0], [1], [0, 0, 1, 1], [], []>, transpose_lhs_hint = false} : vector<128x128xf32>, vector<128x128xf32>, vector<128x128xf32> -> vector<128x128xf32>
    %slice3A = vector.extract_strided_slice %dot_general3A_8 {offsets = [0, 127], sizes = [128, 1], strides = [1, 1]} : vector<128x128xf32> to vector<128x1xf32>
    %slice3A_9 = vector.extract_strided_slice %convert_element_type3A_7 {offsets = [0, 127], sizes = [128, 1], strides = [1, 1]} : vector<128x128xf32> to vector<128x1xf32>
    %add3A = arith.addf %slice3A, %slice3A_9 : vector<128x1xf32>
    %eq3A_10 = arith.constant 1 : i32
    %eq3A_11 = vector.broadcast %eq3A_10 : i32 to vector<128x128xi32>
    %eq3A_12 = arith.cmpi eq, %get3A_1, %eq3A_11 : vector<128x128xi32>
    %convert_element_type3A_13 = arith.extui %eq3A_12 : vector<128x128xi1> to vector<128x128xi32>
    %convert_element_type3A_14 = arith.sitofp %convert_element_type3A_13 : vector<128x128xi32> to vector<128x128xf32>
    %dot_general3A_15 = arith.constant dense<0.000000e+00> : vector<128x128xf32>
    %dot_general3A_16 = tpu.matmul %convert_element_type3A_14, %convert_element_type3A_3, %dot_general3A_15 {dimension_numbers = #tpu.dot_dimension_numbers<[1], [0], [0], [1], [0, 0, 1, 1], [], []>, transpose_lhs_hint = false} : vector<128x128xf32>, vector<128x128xf32>, vector<128x128xf32> -> vector<128x128xf32>
    %slice3A_17 = vector.extract_strided_slice %dot_general3A_16 {offsets = [0, 127], sizes = [128, 1], strides = [1, 1]} : vector<128x128xf32> to vector<128x1xf32>
    %slice3A_18 = vector.extract_strided_slice %convert_element_type3A_14 {offsets = [0, 127], sizes = [128, 1], strides = [1, 1]} : vector<128x128xf32> to vector<128x1xf32>
    %add3A_19 = arith.addf %slice3A_17, %slice3A_18 : vector<128x1xf32>
    %eq3A_20 = arith.constant 2 : i32
    %eq3A_21 = vector.broadcast %eq3A_20 : i32 to vector<128x128xi32>
    %eq3A_22 = arith.cmpi eq, %get3A_1, %eq3A_21 : vector<128x128xi32>
    %convert_element_type3A_23 = arith.extui %eq3A_22 : vector<128x128xi1> to vector<128x128xi32>
    %convert_element_type3A_24 = arith.sitofp %convert_element_type3A_23 : vector<128x128xi32> to vector<128x128xf32>
    %dot_general3A_25 = arith.constant dense<0.000000e+00> : vector<128x128xf32>
    %dot_general3A_26 = tpu.matmul %convert_element_type3A_24, %convert_element_type3A_3, %dot_general3A_25 {dimension_numbers = #tpu.dot_dimension_numbers<[1], [0], [0], [1], [0, 0, 1, 1], [], []>, transpose_lhs_hint = false} : vector<128x128xf32>, vector<128x128xf32>, vector<128x128xf32> -> vector<128x128xf32>
    %slice3A_27 = vector.extract_strided_slice %dot_general3A_26 {offsets = [0, 127], sizes = [128, 1], strides = [1, 1]} : vector<128x128xf32> to vector<128x1xf32>
    %slice3A_28 = vector.extract_strided_slice %convert_element_type3A_24 {offsets = [0, 127], sizes = [128, 1], strides = [1, 1]} : vector<128x128xf32> to vector<128x1xf32>
    %add3A_29 = arith.addf %slice3A_27, %slice3A_28 : vector<128x1xf32>
    %eq3A_30 = arith.constant 3 : i32
    %eq3A_31 = vector.broadcast %eq3A_30 : i32 to vector<128x128xi32>
    %eq3A_32 = arith.cmpi eq, %get3A_1, %eq3A_31 : vector<128x128xi32>
    %convert_element_type3A_33 = arith.extui %eq3A_32 : vector<128x128xi1> to vector<128x128xi32>
    %convert_element_type3A_34 = arith.sitofp %convert_element_type3A_33 : vector<128x128xi32> to vector<128x128xf32>
    %dot_general3A_35 = arith.constant dense<0.000000e+00> : vector<128x128xf32>
    %dot_general3A_36 = tpu.matmul %convert_element_type3A_34, %convert_element_type3A_3, %dot_general3A_35 {dimension_numbers = #tpu.dot_dimension_numbers<[1], [0], [0], [1], [0, 0, 1, 1], [], []>, transpose_lhs_hint = false} : vector<128x128xf32>, vector<128x128xf32>, vector<128x128xf32> -> vector<128x128xf32>
    %slice3A_37 = vector.extract_strided_slice %dot_general3A_36 {offsets = [0, 127], sizes = [128, 1], strides = [1, 1]} : vector<128x128xf32> to vector<128x1xf32>
    %slice3A_38 = vector.extract_strided_slice %convert_element_type3A_34 {offsets = [0, 127], sizes = [128, 1], strides = [1, 1]} : vector<128x128xf32> to vector<128x1xf32>
    %add3A_39 = arith.addf %slice3A_37, %slice3A_38 : vector<128x1xf32>
    %eq3A_40 = arith.constant 4 : i32
    %eq3A_41 = vector.broadcast %eq3A_40 : i32 to vector<128x128xi32>
    %eq3A_42 = arith.cmpi eq, %get3A_1, %eq3A_41 : vector<128x128xi32>
    %convert_element_type3A_43 = arith.extui %eq3A_42 : vector<128x128xi1> to vector<128x128xi32>
    %convert_element_type3A_44 = arith.sitofp %convert_element_type3A_43 : vector<128x128xi32> to vector<128x128xf32>
    %dot_general3A_45 = arith.constant dense<0.000000e+00> : vector<128x128xf32>
    %dot_general3A_46 = tpu.matmul %convert_element_type3A_44, %convert_element_type3A_3, %dot_general3A_45 {dimension_numbers = #tpu.dot_dimension_numbers<[1], [0], [0], [1], [0, 0, 1, 1], [], []>, transpose_lhs_hint = false} : vector<128x128xf32>, vector<128x128xf32>, vector<128x128xf32> -> vector<128x128xf32>
    %slice3A_47 = vector.extract_strided_slice %dot_general3A_46 {offsets = [0, 127], sizes = [128, 1], strides = [1, 1]} : vector<128x128xf32> to vector<128x1xf32>
    %slice3A_48 = vector.extract_strided_slice %convert_element_type3A_44 {offsets = [0, 127], sizes = [128, 1], strides = [1, 1]} : vector<128x128xf32> to vector<128x1xf32>
    %add3A_49 = arith.addf %slice3A_47, %slice3A_48 : vector<128x1xf32>
    %eq3A_50 = arith.constant 5 : i32
    %eq3A_51 = vector.broadcast %eq3A_50 : i32 to vector<128x128xi32>
    %eq3A_52 = arith.cmpi eq, %get3A_1, %eq3A_51 : vector<128x128xi32>
    %convert_element_type3A_53 = arith.extui %eq3A_52 : vector<128x128xi1> to vector<128x128xi32>
    %convert_element_type3A_54 = arith.sitofp %convert_element_type3A_53 : vector<128x128xi32> to vector<128x128xf32>
    %dot_general3A_55 = arith.constant dense<0.000000e+00> : vector<128x128xf32>
    %dot_general3A_56 = tpu.matmul %convert_element_type3A_54, %convert_element_type3A_3, %dot_general3A_55 {dimension_numbers = #tpu.dot_dimension_numbers<[1], [0], [0], [1], [0, 0, 1, 1], [], []>, transpose_lhs_hint = false} : vector<128x128xf32>, vector<128x128xf32>, vector<128x128xf32> -> vector<128x128xf32>
    %slice3A_57 = vector.extract_strided_slice %dot_general3A_56 {offsets = [0, 127], sizes = [128, 1], strides = [1, 1]} : vector<128x128xf32> to vector<128x1xf32>
    %slice3A_58 = vector.extract_strided_slice %convert_element_type3A_54 {offsets = [0, 127], sizes = [128, 1], strides = [1, 1]} : vector<128x128xf32> to vector<128x1xf32>
    %add3A_59 = arith.addf %slice3A_57, %slice3A_58 : vector<128x1xf32>
    %eq3A_60 = arith.constant 6 : i32
    %eq3A_61 = vector.broadcast %eq3A_60 : i32 to vector<128x128xi32>
    %eq3A_62 = arith.cmpi eq, %get3A_1, %eq3A_61 : vector<128x128xi32>
    %convert_element_type3A_63 = arith.extui %eq3A_62 : vector<128x128xi1> to vector<128x128xi32>
    %convert_element_type3A_64 = arith.sitofp %convert_element_type3A_63 : vector<128x128xi32> to vector<128x128xf32>
    %dot_general3A_65 = arith.constant dense<0.000000e+00> : vector<128x128xf32>
    %dot_general3A_66 = tpu.matmul %convert_element_type3A_64, %convert_element_type3A_3, %dot_general3A_65 {dimension_numbers = #tpu.dot_dimension_numbers<[1], [0], [0], [1], [0, 0, 1, 1], [], []>, transpose_lhs_hint = false} : vector<128x128xf32>, vector<128x128xf32>, vector<128x128xf32> -> vector<128x128xf32>
    %slice3A_67 = vector.extract_strided_slice %dot_general3A_66 {offsets = [0, 127], sizes = [128, 1], strides = [1, 1]} : vector<128x128xf32> to vector<128x1xf32>
    %slice3A_68 = vector.extract_strided_slice %convert_element_type3A_64 {offsets = [0, 127], sizes = [128, 1], strides = [1, 1]} : vector<128x128xf32> to vector<128x1xf32>
    %add3A_69 = arith.addf %slice3A_67, %slice3A_68 : vector<128x1xf32>
    %eq3A_70 = arith.constant 7 : i32
    %eq3A_71 = vector.broadcast %eq3A_70 : i32 to vector<128x128xi32>
    %eq3A_72 = arith.cmpi eq, %get3A_1, %eq3A_71 : vector<128x128xi32>
    %convert_element_type3A_73 = arith.extui %eq3A_72 : vector<128x128xi1> to vector<128x128xi32>
    %convert_element_type3A_74 = arith.sitofp %convert_element_type3A_73 : vector<128x128xi32> to vector<128x128xf32>
    %dot_general3A_75 = arith.constant dense<0.000000e+00> : vector<128x128xf32>
    %dot_general3A_76 = tpu.matmul %convert_element_type3A_74, %convert_element_type3A_3, %dot_general3A_75 {dimension_numbers = #tpu.dot_dimension_numbers<[1], [0], [0], [1], [0, 0, 1, 1], [], []>, transpose_lhs_hint = false} : vector<128x128xf32>, vector<128x128xf32>, vector<128x128xf32> -> vector<128x128xf32>
    %slice3A_77 = vector.extract_strided_slice %dot_general3A_76 {offsets = [0, 127], sizes = [128, 1], strides = [1, 1]} : vector<128x128xf32> to vector<128x1xf32>
    %slice3A_78 = vector.extract_strided_slice %convert_element_type3A_74 {offsets = [0, 127], sizes = [128, 1], strides = [1, 1]} : vector<128x128xf32> to vector<128x1xf32>
    %add3A_79 = arith.addf %slice3A_77, %slice3A_78 : vector<128x1xf32>
    %concatenate3A = tpu.concatenate %add3A, %add3A_19, %add3A_29, %add3A_39, %add3A_49, %add3A_59, %add3A_69, %add3A_79 in 1 : vector<128x1xf32>, vector<128x1xf32>, vector<128x1xf32>, vector<128x1xf32>, vector<128x1xf32>, vector<128x1xf32>, vector<128x1xf32>, vector<128x1xf32> -> vector<128x8xf32>
    %iota3A_80 = tpu.iota {dimensions = array<i32: 1>} : vector<128x128xi32>
    %iota3A_81 = tpu.iota {dimensions = array<i32: 0>} : vector<128x128xi32>
    %lt3A_82 = arith.cmpi slt, %iota3A_80, %iota3A_81 : vector<128x128xi32>
    %convert_element_type3A_83 = arith.extui %lt3A_82 : vector<128x128xi1> to vector<128x128xi32>
    %convert_element_type3A_84 = arith.sitofp %convert_element_type3A_83 : vector<128x128xi32> to vector<128x128xf32>
    %dot_general3A_85 = arith.constant dense<0.000000e+00> : vector<128x8xf32>
    %dot_general3A_86 = tpu.matmul %convert_element_type3A_84, %concatenate3A, %dot_general3A_85 {dimension_numbers = #tpu.dot_dimension_numbers<[1], [0], [0], [1], [0, 0, 1, 1], [], []>, transpose_lhs_hint = false} : vector<128x128xf32>, vector<128x8xf32>, vector<128x8xf32> -> vector<128x8xf32>
    %slice3A_87 = vector.extract_strided_slice %dot_general3A_86 {offsets = [127, 0], sizes = [1, 8], strides = [1, 1]} : vector<128x8xf32> to vector<1x8xf32>
    %slice3A_88 = vector.extract_strided_slice %concatenate3A {offsets = [127, 0], sizes = [1, 8], strides = [1, 1]} : vector<128x8xf32> to vector<1x8xf32>
    %add3A_89 = arith.addf %slice3A_87, %slice3A_88 : vector<1x8xf32>
    %iota3A_90 = tpu.iota {dimensions = array<i32: 0>} : vector<8x8xi32>
    %iota3A_91 = tpu.iota {dimensions = array<i32: 1>} : vector<8x8xi32>
    %lt3A_92 = arith.cmpi slt, %iota3A_90, %iota3A_91 : vector<8x8xi32>
    %convert_element_type3A_93 = arith.extui %lt3A_92 : vector<8x8xi1> to vector<8x8xi32>
    %convert_element_type3A_94 = arith.sitofp %convert_element_type3A_93 : vector<8x8xi32> to vector<8x8xf32>
    %dot_general3A_95 = arith.constant dense<0.000000e+00> : vector<1x8xf32>
    %dot_general3A_96 = tpu.matmul %add3A_89, %convert_element_type3A_94, %dot_general3A_95 {dimension_numbers = #tpu.dot_dimension_numbers<[1], [0], [0], [1], [0, 0, 1, 1], [], []>, transpose_lhs_hint = false} : vector<1x8xf32>, vector<8x8xf32>, vector<1x8xf32> -> vector<1x8xf32>
    %add3A_97 = vector.broadcast %dot_general3A_96 : vector<1x8xf32> to vector<128x8xf32>
    %add3A_98 = arith.addf %dot_general3A_86, %add3A_97 : vector<128x8xf32>
    %broadcast_in_dim3A = arith.constant 0.000000e+00 : f32
    %broadcast_in_dim3A_99 = vector.broadcast %broadcast_in_dim3A : f32 to vector<128x128xf32>
    %slice3A_100 = vector.extract_strided_slice %add3A_98 {offsets = [0, 0], sizes = [128, 1], strides = [1, 1]} : vector<128x8xf32> to vector<128x1xf32>
    %add3A_101 = vector.broadcast %slice3A_100 : vector<128x1xf32> to vector<128x128xf32>
    %add3A_102 = arith.addf %dot_general3A_8, %add3A_101 : vector<128x128xf32>
    %mul3A = arith.mulf %convert_element_type3A_7, %add3A_102 : vector<128x128xf32>
    %add3A_103 = arith.addf %broadcast_in_dim3A_99, %mul3A : vector<128x128xf32>
    %slice3A_104 = vector.extract_strided_slice %add3A_98 {offsets = [0, 1], sizes = [128, 1], strides = [1, 1]} : vector<128x8xf32> to vector<128x1xf32>
    %add3A_105 = vector.broadcast %slice3A_104 : vector<128x1xf32> to vector<128x128xf32>
    %add3A_106 = arith.addf %dot_general3A_16, %add3A_105 : vector<128x128xf32>
    %mul3A_107 = arith.mulf %convert_element_type3A_14, %add3A_106 : vector<128x128xf32>
    %add3A_108 = arith.addf %add3A_103, %mul3A_107 : vector<128x128xf32>
    %slice3A_109 = vector.extract_strided_slice %add3A_98 {offsets = [0, 2], sizes = [128, 1], strides = [1, 1]} : vector<128x8xf32> to vector<128x1xf32>
    %add3A_110 = vector.broadcast %slice3A_109 : vector<128x1xf32> to vector<128x128xf32>
    %add3A_111 = arith.addf %dot_general3A_26, %add3A_110 : vector<128x128xf32>
    %mul3A_112 = arith.mulf %convert_element_type3A_24, %add3A_111 : vector<128x128xf32>
    %add3A_113 = arith.addf %add3A_108, %mul3A_112 : vector<128x128xf32>
    %slice3A_114 = vector.extract_strided_slice %add3A_98 {offsets = [0, 3], sizes = [128, 1], strides = [1, 1]} : vector<128x8xf32> to vector<128x1xf32>
    %add3A_115 = vector.broadcast %slice3A_114 : vector<128x1xf32> to vector<128x128xf32>
    %add3A_116 = arith.addf %dot_general3A_36, %add3A_115 : vector<128x128xf32>
    %mul3A_117 = arith.mulf %convert_element_type3A_34, %add3A_116 : vector<128x128xf32>
    %add3A_118 = arith.addf %add3A_113, %mul3A_117 : vector<128x128xf32>
    %slice3A_119 = vector.extract_strided_slice %add3A_98 {offsets = [0, 4], sizes = [128, 1], strides = [1, 1]} : vector<128x8xf32> to vector<128x1xf32>
    %add3A_120 = vector.broadcast %slice3A_119 : vector<128x1xf32> to vector<128x128xf32>
    %add3A_121 = arith.addf %dot_general3A_46, %add3A_120 : vector<128x128xf32>
    %mul3A_122 = arith.mulf %convert_element_type3A_44, %add3A_121 : vector<128x128xf32>
    %add3A_123 = arith.addf %add3A_118, %mul3A_122 : vector<128x128xf32>
    %slice3A_124 = vector.extract_strided_slice %add3A_98 {offsets = [0, 5], sizes = [128, 1], strides = [1, 1]} : vector<128x8xf32> to vector<128x1xf32>
    %add3A_125 = vector.broadcast %slice3A_124 : vector<128x1xf32> to vector<128x128xf32>
    %add3A_126 = arith.addf %dot_general3A_56, %add3A_125 : vector<128x128xf32>
    %mul3A_127 = arith.mulf %convert_element_type3A_54, %add3A_126 : vector<128x128xf32>
    %add3A_128 = arith.addf %add3A_123, %mul3A_127 : vector<128x128xf32>
    %slice3A_129 = vector.extract_strided_slice %add3A_98 {offsets = [0, 6], sizes = [128, 1], strides = [1, 1]} : vector<128x8xf32> to vector<128x1xf32>
    %add3A_130 = vector.broadcast %slice3A_129 : vector<128x1xf32> to vector<128x128xf32>
    %add3A_131 = arith.addf %dot_general3A_66, %add3A_130 : vector<128x128xf32>
    %mul3A_132 = arith.mulf %convert_element_type3A_64, %add3A_131 : vector<128x128xf32>
    %add3A_133 = arith.addf %add3A_128, %mul3A_132 : vector<128x128xf32>
    %slice3A_134 = vector.extract_strided_slice %add3A_98 {offsets = [0, 7], sizes = [128, 1], strides = [1, 1]} : vector<128x8xf32> to vector<128x1xf32>
    %add3A_135 = vector.broadcast %slice3A_134 : vector<128x1xf32> to vector<128x128xf32>
    %add3A_136 = arith.addf %dot_general3A_76, %add3A_135 : vector<128x128xf32>
    %mul3A_137 = arith.mulf %convert_element_type3A_74, %add3A_136 : vector<128x128xf32>
    %add3A_138 = arith.addf %add3A_133, %mul3A_137 : vector<128x128xf32>
    %convert_element_type3A_139 = arith.fptosi %add3A_138 : vector<128x128xf32> to vector<128x128xi32>
    %swap3A = arith.constant 0 : index
    %swap3A_140 = arith.constant 0 : index
    %swap3A_141 = vector.load %arg2[%swap3A, %swap3A_140] : memref<128x128xi32, #tpu.memory_space<vmem>>, vector<128x128xi32>
    tpu.vector_store %arg2[%swap3A, %swap3A_140], %convert_element_type3A_139 {strides = array<i32>} : memref<128x128xi32, #tpu.memory_space<vmem>>, vector<128x128xi32>,
    %convert_element_type3A_142 = arith.fptosi %add3A_89 : vector<1x8xf32> to vector<1x8xi32>
    %swap3A_143 = arith.constant 0 : index
    %swap3A_144 = arith.constant 0 : index
    %swap3A_145 = vector.load %arg3[%swap3A_143, %swap3A_144] : memref<1x8xi32, #tpu.memory_space<vmem>>, vector<1x8xi32>
    tpu.vector_store %arg3[%swap3A_143, %swap3A_144], %convert_element_type3A_142 {strides = array<i32>} : memref<1x8xi32, #tpu.memory_space<vmem>>, vector<1x8xi32>,
    return
  }
  func.func @transform_0(%arg0: i32) -> (i32, i32) {
    %c0_i32 = arith.constant 0 : i32
    %c0_i32_0 = arith.constant 0 : i32
    %c0_i32_1 = arith.constant 0 : i32
    return %c0_i32, %c0_i32_0 : i32, i32
  }
  func.func @transform_1(%arg0: i32) -> (i32, i32) {
    %c0_i32 = arith.constant 0 : i32
    %c0_i32_0 = arith.constant 0 : i32
    %c0_i32_1 = arith.constant 0 : i32
    return %c0_i32, %c0_i32_0 : i32, i32
  }
  func.func @transform_2(%arg0: i32) -> (i32, i32) {
    %c0_i32 = arith.constant 0 : i32
    %c0_i32_0 = arith.constant 0 : i32
    %c0_i32_1 = arith.constant 0 : i32
    return %c0_i32, %c0_i32_0 : i32, i32
  }
}

module attributes {stable_mosaic.version = 14 : i64} {
  func.func @_fused_body(%arg0: i32, %arg1: memref<39xi32, #tpu.memory_space<smem>>, %arg2: memref<39xi32, #tpu.memory_space<smem>>, %arg3: memref<39xi32, #tpu.memory_space<smem>>, %arg4: memref<39xi32, #tpu.memory_space<smem>>, %arg5: memref<39xi32, #tpu.memory_space<smem>>, %arg6: memref<39xi32, #tpu.memory_space<smem>>, %arg7: memref<512x512xf32, #tpu.memory_space<vmem>>, %arg8: memref<512x1024xbf16, #tpu.memory_space<vmem>>, %arg9: memref<1x1024xf32, #tpu.memory_space<vmem>>, %arg10: memref<1024x1024xbf16, #tpu.memory_space<vmem>>, %arg11: memref<1x1024xf32, #tpu.memory_space<vmem>>, %arg12: memref<1x1024x512xbf16, #tpu.memory_space<vmem>>, %arg13: memref<1x1x512xf32, #tpu.memory_space<vmem>>, %arg14: memref<1x512x256xbf16, #tpu.memory_space<vmem>>, %arg15: memref<1x1x256xf32, #tpu.memory_space<vmem>>, %arg16: memref<1x1280xf32, #tpu.memory_space<vmem>>, %arg17: memref<1xf32, #tpu.memory_space<smem>>, %arg18: memref<1280x1024xbf16, #tpu.memory_space<vmem>>, %arg19: memref<1x1024xf32, #tpu.memory_space<vmem>>, %arg20: memref<1024x64xbf16, #tpu.memory_space<vmem>>, %arg21: memref<1x64xf32, #tpu.memory_space<vmem>>, %arg22: memref<512x64xf32, #tpu.memory_space<vmem>>, %arg23: memref<512x8xf32, #tpu.memory_space<vmem>>, %arg24: memref<512x1024xf32, #tpu.memory_space<vmem>>, %arg25: memref<512x256xf32, #tpu.memory_space<vmem>>) attributes {dimension_semantics = [#tpu.dimension_semantics<arbitrary>], iteration_bounds = array<i64: 39>, scalar_prefetch = 6 : i64, scratch_operands = 2 : i64, tpu.core_type = #tpu.core_type<tc>, window_params = [{transform_indices = @transform_0, window_bounds = array<i64: 512, 512>}, {pipeline_mode = #tpu.pipeline_mode<synchronous>, transform_indices = @transform_1, window_bounds = array<i64: 512, 1024>}, {pipeline_mode = #tpu.pipeline_mode<synchronous>, transform_indices = @transform_2, window_bounds = array<i64: 1, 1024>}, {pipeline_mode = #tpu.pipeline_mode<synchronous>, transform_indices = @transform_3, window_bounds = array<i64: 1024, 1024>}, {pipeline_mode = #tpu.pipeline_mode<synchronous>, transform_indices = @transform_4, window_bounds = array<i64: 1, 1024>}, {transform_indices = @transform_5, window_bounds = array<i64: 1, 1024, 512>}, {transform_indices = @transform_6, window_bounds = array<i64: 1, 1, 512>}, {transform_indices = @transform_7, window_bounds = array<i64: 1, 512, 256>}, {transform_indices = @transform_8, window_bounds = array<i64: 1, 1, 256>}, {pipeline_mode = #tpu.pipeline_mode<synchronous>, transform_indices = @transform_9, window_bounds = array<i64: 1, 1280>}, {transform_indices = @transform_10, window_bounds = array<i64: 1>}, {pipeline_mode = #tpu.pipeline_mode<synchronous>, transform_indices = @transform_11, window_bounds = array<i64: 1280, 1024>}, {pipeline_mode = #tpu.pipeline_mode<synchronous>, transform_indices = @transform_12, window_bounds = array<i64: 1, 1024>}, {pipeline_mode = #tpu.pipeline_mode<synchronous>, transform_indices = @transform_13, window_bounds = array<i64: 1024, 64>}, {pipeline_mode = #tpu.pipeline_mode<synchronous>, transform_indices = @transform_14, window_bounds = array<i64: 1, 64>}, {transform_indices = @transform_15, window_bounds = array<i64: 512, 64>}, {transform_indices = @transform_16, window_bounds = array<i64: 512, 8>}]} {
    %get3A = arith.index_cast %arg0 : i32 to index
    %get3A_0 = memref.load %arg5[%get3A] : memref<39xi32, #tpu.memory_space<smem>>
    %eq3A = arith.constant 1 : i32
    %eq3A_1 = arith.cmpi eq, %get3A_0, %eq3A : i32
    %get3A_2 = arith.index_cast %arg0 : i32 to index
    %get3A_3 = memref.load %arg6[%get3A_2] : memref<39xi32, #tpu.memory_space<smem>>
    %eq3A_4 = arith.constant 1 : i32
    %eq3A_5 = arith.cmpi eq, %get3A_3, %eq3A_4 : i32
    %convert_element_type3A = arith.extui %eq3A_1 : i1 to i32
    %cond3A = arith.constant 0 : i32
    %cond3A_6 = arith.cmpi ne, %convert_element_type3A, %cond3A : i32
    scf.if %cond3A_6 {
      %get3A_58 = arith.constant 0 : index
      %get3A_59 = arith.constant 0 : index
      %get3A_60 = vector.load %arg7[%get3A_58, %get3A_59] : memref<512x512xf32, #tpu.memory_space<vmem>>, vector<512x512xf32>
      %convert_element_type3A_61 = arith.truncf %get3A_60 : vector<512x512xf32> to vector<512x512xbf16>
      %get3A_62 = arith.constant 0 : index
      %get3A_63 = arith.constant 0 : index
      %get3A_64 = vector.load %arg8[%get3A_62, %get3A_63] : memref<512x1024xbf16, #tpu.memory_space<vmem>>, vector<512x1024xbf16>
      %dot_general3A_65 = arith.constant dense<0.000000e+00> : vector<512x1024xf32>
      %dot_general3A_66 = tpu.matmul %convert_element_type3A_61, %get3A_64, %dot_general3A_65 {dimension_numbers = #tpu.dot_dimension_numbers<[1], [0], [0], [1], [0, 0, 1, 1], [], []>, transpose_lhs_hint = false} : vector<512x512xbf16>, vector<512x1024xbf16>, vector<512x1024xf32> -> vector<512x1024xf32>
      %get3A_67 = arith.constant 0 : index
      %get3A_68 = arith.constant 0 : index
      %get3A_69 = vector.load %arg9[%get3A_67, %get3A_68] : memref<1x1024xf32, #tpu.memory_space<vmem>>, vector<1x1024xf32>
      %add3A_70 = vector.broadcast %get3A_69 : vector<1x1024xf32> to vector<512x1024xf32>
      %add3A_71 = arith.addf %dot_general3A_66, %add3A_70 : vector<512x1024xf32>
      %max3A_72 = arith.constant 0.000000e+00 : f32
      %max3A_73 = vector.broadcast %max3A_72 : f32 to vector<512x1024xf32>
      %max3A_74 = arith.maximumf %add3A_71, %max3A_73 : vector<512x1024xf32>
      %convert_element_type3A_75 = arith.truncf %max3A_74 : vector<512x1024xf32> to vector<512x1024xbf16>
      %get3A_76 = arith.constant 0 : index
      %get3A_77 = arith.constant 0 : index
      %get3A_78 = vector.load %arg10[%get3A_76, %get3A_77] : memref<1024x1024xbf16, #tpu.memory_space<vmem>>, vector<1024x1024xbf16>
      %dot_general3A_79 = arith.constant dense<0.000000e+00> : vector<512x1024xf32>
      %dot_general3A_80 = tpu.matmul %convert_element_type3A_75, %get3A_78, %dot_general3A_79 {dimension_numbers = #tpu.dot_dimension_numbers<[1], [0], [0], [1], [0, 0, 1, 1], [], []>, transpose_lhs_hint = false} : vector<512x1024xbf16>, vector<1024x1024xbf16>, vector<512x1024xf32> -> vector<512x1024xf32>
      %get3A_81 = arith.constant 0 : index
      %get3A_82 = arith.constant 0 : index
      %get3A_83 = vector.load %arg11[%get3A_81, %get3A_82] : memref<1x1024xf32, #tpu.memory_space<vmem>>, vector<1x1024xf32>
      %add3A_84 = vector.broadcast %get3A_83 : vector<1x1024xf32> to vector<512x1024xf32>
      %add3A_85 = arith.addf %dot_general3A_80, %add3A_84 : vector<512x1024xf32>
      %max3A_86 = arith.constant 0.000000e+00 : f32
      %max3A_87 = vector.broadcast %max3A_86 : f32 to vector<512x1024xf32>
      %max3A_88 = arith.maximumf %add3A_85, %max3A_87 : vector<512x1024xf32>
      %swap3A = arith.constant 0 : index
      %swap3A_89 = arith.constant 0 : index
      %swap3A_90 = vector.load %arg24[%swap3A, %swap3A_89] : memref<512x1024xf32, #tpu.memory_space<vmem>>, vector<512x1024xf32>
      tpu.vector_store %arg24[%swap3A, %swap3A_89], %max3A_88 {strides = array<i32>} : memref<512x1024xf32, #tpu.memory_space<vmem>>, vector<512x1024xf32>,
    } else {
    }
    %get3A_7 = arith.constant 0 : index
    %get3A_8 = arith.constant 0 : index
    %get3A_9 = vector.load %arg24[%get3A_7, %get3A_8] : memref<512x1024xf32, #tpu.memory_space<vmem>>, vector<512x1024xf32>
    %convert_element_type3A_10 = arith.truncf %get3A_9 : vector<512x1024xf32> to vector<512x1024xbf16>
    %get3A_11 = arith.constant 0 : index
    %get3A_12 = arith.constant 0 : index
    %get3A_13 = arith.constant 0 : index
    %get3A_14 = vector.load %arg12[%get3A_11, %get3A_12, %get3A_13] : memref<1x1024x512xbf16, #tpu.memory_space<vmem>>, vector<1x1024x512xbf16>
    %get3A_15 = vector.shape_cast %get3A_14 : vector<1x1024x512xbf16> to vector<1024x512xbf16>
    %dot_general3A = arith.constant dense<0.000000e+00> : vector<512x512xf32>
    %dot_general3A_16 = tpu.matmul %convert_element_type3A_10, %get3A_15, %dot_general3A {dimension_numbers = #tpu.dot_dimension_numbers<[1], [0], [0], [1], [0, 0, 1, 1], [], []>, transpose_lhs_hint = false} : vector<512x1024xbf16>, vector<1024x512xbf16>, vector<512x512xf32> -> vector<512x512xf32>
    %get3A_17 = arith.constant 0 : index
    %get3A_18 = arith.constant 0 : index
    %get3A_19 = arith.constant 0 : index
    %get3A_20 = vector.load %arg13[%get3A_17, %get3A_18, %get3A_19] : memref<1x1x512xf32, #tpu.memory_space<vmem>>, vector<1x1x512xf32>
    %get3A_21 = vector.shape_cast %get3A_20 : vector<1x1x512xf32> to vector<1x512xf32>
    %add3A = vector.broadcast %get3A_21 : vector<1x512xf32> to vector<512x512xf32>
    %add3A_22 = arith.addf %dot_general3A_16, %add3A : vector<512x512xf32>
    %max3A = arith.constant 0.000000e+00 : f32
    %max3A_23 = vector.broadcast %max3A : f32 to vector<512x512xf32>
    %max3A_24 = arith.maximumf %add3A_22, %max3A_23 : vector<512x512xf32>
    %convert_element_type3A_25 = arith.truncf %max3A_24 : vector<512x512xf32> to vector<512x512xbf16>
    %get3A_26 = arith.constant 0 : index
    %get3A_27 = arith.constant 0 : index
    %get3A_28 = arith.constant 0 : index
    %get3A_29 = vector.load %arg14[%get3A_26, %get3A_27, %get3A_28] : memref<1x512x256xbf16, #tpu.memory_space<vmem>>, vector<1x512x256xbf16>
    %get3A_30 = vector.shape_cast %get3A_29 : vector<1x512x256xbf16> to vector<512x256xbf16>
    %dot_general3A_31 = arith.constant dense<0.000000e+00> : vector<512x256xf32>
    %dot_general3A_32 = tpu.matmul %convert_element_type3A_25, %get3A_30, %dot_general3A_31 {dimension_numbers = #tpu.dot_dimension_numbers<[1], [0], [0], [1], [0, 0, 1, 1], [], []>, transpose_lhs_hint = false} : vector<512x512xbf16>, vector<512x256xbf16>, vector<512x256xf32> -> vector<512x256xf32>
    %get3A_33 = arith.constant 0 : index
    %get3A_34 = arith.constant 0 : index
    %get3A_35 = arith.constant 0 : index
    %get3A_36 = vector.load %arg15[%get3A_33, %get3A_34, %get3A_35] : memref<1x1x256xf32, #tpu.memory_space<vmem>>, vector<1x1x256xf32>
    %get3A_37 = vector.shape_cast %get3A_36 : vector<1x1x256xf32> to vector<1x256xf32>
    %add3A_38 = vector.broadcast %get3A_37 : vector<1x256xf32> to vector<512x256xf32>
    %add3A_39 = arith.addf %dot_general3A_32, %add3A_38 : vector<512x256xf32>
    %iota3A = tpu.iota {dimensions = array<i32: 0>} : vector<512x1xi32>
    %get3A_40 = arith.index_cast %arg0 : i32 to index
    %get3A_41 = memref.load %arg3[%get3A_40] : memref<39xi32, #tpu.memory_space<smem>>
    %ge3A = vector.broadcast %get3A_41 : i32 to vector<512x1xi32>
    %ge3A_42 = arith.cmpi sge, %iota3A, %ge3A : vector<512x1xi32>
    %get3A_43 = arith.index_cast %arg0 : i32 to index
    %get3A_44 = memref.load %arg4[%get3A_43] : memref<39xi32, #tpu.memory_space<smem>>
    %lt3A = vector.broadcast %get3A_44 : i32 to vector<512x1xi32>
    %lt3A_45 = arith.cmpi slt, %iota3A, %lt3A : vector<512x1xi32>
    %and3A = arith.andi %ge3A_42, %lt3A_45 : vector<512x1xi1>
    %jit3A = arith.constant 0.000000e+00 : f32
    %broadcast_in_dim3A = vector.shape_cast %and3A : vector<512x1xi1> to vector<512x1xi1>
    %broadcast_in_dim3A_46 = vector.broadcast %broadcast_in_dim3A : vector<512x1xi1> to vector<512x256xi1>
    %broadcast_in_dim3A_47 = vector.broadcast %jit3A : f32 to vector<512x256xf32>
    %select_n3A = arith.select %broadcast_in_dim3A_46, %add3A_39, %broadcast_in_dim3A_47 : vector<512x256xi1>, vector<512x256xf32>
    %convert_element_type3A_48 = arith.extui %eq3A_1 : i1 to i32
    %cond3A_49 = arith.constant 0 : i32
    %cond3A_50 = arith.cmpi ne, %convert_element_type3A_48, %cond3A_49 : i32
    scf.if %cond3A_50 {
      %swap3A = arith.constant 0 : index
      %swap3A_58 = arith.constant 0 : index
      %swap3A_59 = vector.load %arg25[%swap3A, %swap3A_58] : memref<512x256xf32, #tpu.memory_space<vmem>>, vector<512x256xf32>
      tpu.vector_store %arg25[%swap3A, %swap3A_58], %select_n3A {strides = array<i32>} : memref<512x256xf32, #tpu.memory_space<vmem>>, vector<512x256xf32>,
    } else {
    }
    %not3A = arith.constant true
    %not3A_51 = arith.xori %eq3A_1, %not3A : i1
    %convert_element_type3A_52 = arith.extui %not3A_51 : i1 to i32
    %cond3A_53 = arith.constant 0 : i32
    %cond3A_54 = arith.cmpi ne, %convert_element_type3A_52, %cond3A_53 : i32
    scf.if %cond3A_54 {
      %get3A_58 = arith.constant 0 : index
      %get3A_59 = arith.constant 0 : index
      %get3A_60 = vector.load %arg25[%get3A_58, %get3A_59] : memref<512x256xf32, #tpu.memory_space<vmem>>, vector<512x256xf32>
      %add3A_61 = arith.addf %get3A_60, %select_n3A : vector<512x256xf32>
      %swap3A = arith.constant 0 : index
      %swap3A_62 = arith.constant 0 : index
      %swap3A_63 = vector.load %arg25[%swap3A, %swap3A_62] : memref<512x256xf32, #tpu.memory_space<vmem>>, vector<512x256xf32>
      tpu.vector_store %arg25[%swap3A, %swap3A_62], %add3A_61 {strides = array<i32>} : memref<512x256xf32, #tpu.memory_space<vmem>>, vector<512x256xf32>,
    } else {
    }
    %convert_element_type3A_55 = arith.extui %eq3A_5 : i1 to i32
    %cond3A_56 = arith.constant 0 : i32
    %cond3A_57 = arith.cmpi ne, %convert_element_type3A_55, %cond3A_56 : i32
    scf.if %cond3A_57 {
      %get3A_58 = arith.constant 0 : index
      %get3A_59 = arith.constant 0 : index
      %get3A_60 = vector.load %arg25[%get3A_58, %get3A_59] : memref<512x256xf32, #tpu.memory_space<vmem>>, vector<512x256xf32>
      %convert_element_type3A_61 = arith.truncf %get3A_60 : vector<512x256xf32> to vector<512x256xbf16>
      %get3A_62 = arith.constant 0 : index
      %get3A_63 = arith.constant 0 : index
      %get3A_64 = vector.load %arg18[%get3A_62, %get3A_63] : memref<1280x1024xbf16, #tpu.memory_space<vmem>>, vector<1024x1024xbf16>
      %dot_general3A_65 = arith.constant dense<0.000000e+00> : vector<512x1024xf32>
      %dot_general3A_66 = tpu.matmul %convert_element_type3A_10, %get3A_64, %dot_general3A_65 {dimension_numbers = #tpu.dot_dimension_numbers<[1], [0], [0], [1], [0, 0, 1, 1], [], []>, transpose_lhs_hint = false} : vector<512x1024xbf16>, vector<1024x1024xbf16>, vector<512x1024xf32> -> vector<512x1024xf32>
      %get3A_67 = arith.constant 1024 : index
      %get3A_68 = arith.constant 0 : index
      %get3A_69 = vector.load %arg18[%get3A_67, %get3A_68] : memref<1280x1024xbf16, #tpu.memory_space<vmem>>, vector<256x1024xbf16>
      %dot_general3A_70 = arith.constant dense<0.000000e+00> : vector<512x1024xf32>
      %dot_general3A_71 = tpu.matmul %convert_element_type3A_61, %get3A_69, %dot_general3A_70 {dimension_numbers = #tpu.dot_dimension_numbers<[1], [0], [0], [1], [0, 0, 1, 1], [], []>, transpose_lhs_hint = false} : vector<512x256xbf16>, vector<256x1024xbf16>, vector<512x1024xf32> -> vector<512x1024xf32>
      %add3A_72 = arith.addf %dot_general3A_66, %dot_general3A_71 : vector<512x1024xf32>
      %get3A_73 = arith.constant 0 : index
      %get3A_74 = arith.constant 0 : index
      %get3A_75 = vector.load %arg19[%get3A_73, %get3A_74] : memref<1x1024xf32, #tpu.memory_space<vmem>>, vector<1x1024xf32>
      %add3A_76 = vector.broadcast %get3A_75 : vector<1x1024xf32> to vector<512x1024xf32>
      %add3A_77 = arith.addf %add3A_72, %add3A_76 : vector<512x1024xf32>
      %max3A_78 = arith.constant 0.000000e+00 : f32
      %max3A_79 = vector.broadcast %max3A_78 : f32 to vector<512x1024xf32>
      %max3A_80 = arith.maximumf %add3A_77, %max3A_79 : vector<512x1024xf32>
      %convert_element_type3A_81 = arith.truncf %max3A_80 : vector<512x1024xf32> to vector<512x1024xbf16>
      %get3A_82 = arith.constant 0 : index
      %get3A_83 = arith.constant 0 : index
      %get3A_84 = vector.load %arg20[%get3A_82, %get3A_83] : memref<1024x64xbf16, #tpu.memory_space<vmem>>, vector<1024x64xbf16>
      %dot_general3A_85 = arith.constant dense<0.000000e+00> : vector<512x64xf32>
      %dot_general3A_86 = tpu.matmul %convert_element_type3A_81, %get3A_84, %dot_general3A_85 {dimension_numbers = #tpu.dot_dimension_numbers<[1], [0], [0], [1], [0, 0, 1, 1], [], []>, transpose_lhs_hint = false} : vector<512x1024xbf16>, vector<1024x64xbf16>, vector<512x64xf32> -> vector<512x64xf32>
      %get3A_87 = arith.constant 0 : index
      %get3A_88 = arith.constant 0 : index
      %get3A_89 = vector.load %arg21[%get3A_87, %get3A_88] : memref<1x64xf32, #tpu.memory_space<vmem>>, vector<1x64xf32>
      %add3A_90 = vector.broadcast %get3A_89 : vector<1x64xf32> to vector<512x64xf32>
      %add3A_91 = arith.addf %dot_general3A_86, %add3A_90 : vector<512x64xf32>
      %get3A_92 = arith.constant 0 : index
      %get3A_93 = arith.constant 0 : index
      %get3A_94 = vector.load %arg16[%get3A_92, %get3A_93] : memref<1x1280xf32, #tpu.memory_space<vmem>>, vector<1x1024xf32>
      %mul3A = vector.broadcast %get3A_94 : vector<1x1024xf32> to vector<512x1024xf32>
      %mul3A_95 = arith.mulf %get3A_9, %mul3A : vector<512x1024xf32>
      %reduce_sum3A = arith.constant dense<0.000000e+00> : vector<512xf32>
      %reduce_sum3A_96 = vector.multi_reduction <add>, %mul3A_95, %reduce_sum3A [1] : vector<512x1024xf32> to vector<512xf32>
      %broadcast_in_dim3A_97 = vector.shape_cast %reduce_sum3A_96 : vector<512xf32> to vector<512x1xf32>
      %get3A_98 = arith.constant 0 : index
      %get3A_99 = arith.constant 1024 : index
      %get3A_100 = vector.load %arg16[%get3A_98, %get3A_99] : memref<1x1280xf32, #tpu.memory_space<vmem>>, vector<1x256xf32>
      %mul3A_101 = vector.broadcast %get3A_100 : vector<1x256xf32> to vector<512x256xf32>
      %mul3A_102 = arith.mulf %get3A_60, %mul3A_101 : vector<512x256xf32>
      %reduce_sum3A_103 = arith.constant dense<0.000000e+00> : vector<512xf32>
      %reduce_sum3A_104 = vector.multi_reduction <add>, %mul3A_102, %reduce_sum3A_103 [1] : vector<512x256xf32> to vector<512xf32>
      %broadcast_in_dim3A_105 = vector.shape_cast %reduce_sum3A_104 : vector<512xf32> to vector<512x1xf32>
      %add3A_106 = arith.addf %broadcast_in_dim3A_97, %broadcast_in_dim3A_105 : vector<512x1xf32>
      %get3A_107 = arith.constant 0 : index
      %get3A_108 = memref.load %arg17[%get3A_107] : memref<1xf32, #tpu.memory_space<smem>>
      %add3A_109 = vector.broadcast %get3A_108 : f32 to vector<512x1xf32>
      %add3A_110 = arith.addf %add3A_106, %add3A_109 : vector<512x1xf32>
      %swap3A = arith.constant 0 : index
      %swap3A_111 = arith.constant 0 : index
      %swap3A_112 = vector.load %arg22[%swap3A, %swap3A_111] : memref<512x64xf32, #tpu.memory_space<vmem>>, vector<512x64xf32>
      tpu.vector_store %arg22[%swap3A, %swap3A_111], %add3A_91 {strides = array<i32>} : memref<512x64xf32, #tpu.memory_space<vmem>>, vector<512x64xf32>,
      %broadcast_in_dim3A_113 = vector.shape_cast %add3A_110 : vector<512x1xf32> to vector<512x1xf32>
      %broadcast_in_dim3A_114 = vector.broadcast %broadcast_in_dim3A_113 : vector<512x1xf32> to vector<512x8xf32>
      %swap3A_115 = arith.constant 0 : index
      %swap3A_116 = arith.constant 0 : index
      %swap3A_117 = vector.load %arg23[%swap3A_115, %swap3A_116] : memref<512x8xf32, #tpu.memory_space<vmem>>, vector<512x8xf32>
      tpu.vector_store %arg23[%swap3A_115, %swap3A_116], %broadcast_in_dim3A_114 {strides = array<i32>} : memref<512x8xf32, #tpu.memory_space<vmem>>, vector<512x8xf32>,
    } else {
    }
    return
  }
  func.func @transform_0(%arg0: i32, %arg1: memref<39xi32, #tpu.memory_space<smem>>, %arg2: memref<39xi32, #tpu.memory_space<smem>>, %arg3: memref<39xi32, #tpu.memory_space<smem>>, %arg4: memref<39xi32, #tpu.memory_space<smem>>, %arg5: memref<39xi32, #tpu.memory_space<smem>>, %arg6: memref<39xi32, #tpu.memory_space<smem>>) -> (i32, i32) {
    %get3A = arith.index_cast %arg0 : i32 to index
    %get3A_0 = memref.load %arg1[%get3A] : memref<39xi32, #tpu.memory_space<smem>>
    %c0_i32 = arith.constant 0 : i32
    %c0_i32_1 = arith.constant 0 : i32
    return %get3A_0, %c0_i32 : i32, i32
  }
  func.func @transform_1(%arg0: i32, %arg1: memref<39xi32, #tpu.memory_space<smem>>, %arg2: memref<39xi32, #tpu.memory_space<smem>>, %arg3: memref<39xi32, #tpu.memory_space<smem>>, %arg4: memref<39xi32, #tpu.memory_space<smem>>, %arg5: memref<39xi32, #tpu.memory_space<smem>>, %arg6: memref<39xi32, #tpu.memory_space<smem>>) -> (i32, i32) {
    %c0_i32 = arith.constant 0 : i32
    %c0_i32_0 = arith.constant 0 : i32
    %c0_i32_1 = arith.constant 0 : i32
    return %c0_i32, %c0_i32_0 : i32, i32
  }
  func.func @transform_2(%arg0: i32, %arg1: memref<39xi32, #tpu.memory_space<smem>>, %arg2: memref<39xi32, #tpu.memory_space<smem>>, %arg3: memref<39xi32, #tpu.memory_space<smem>>, %arg4: memref<39xi32, #tpu.memory_space<smem>>, %arg5: memref<39xi32, #tpu.memory_space<smem>>, %arg6: memref<39xi32, #tpu.memory_space<smem>>) -> (i32, i32) {
    %c0_i32 = arith.constant 0 : i32
    %c0_i32_0 = arith.constant 0 : i32
    %c0_i32_1 = arith.constant 0 : i32
    return %c0_i32, %c0_i32_0 : i32, i32
  }
  func.func @transform_3(%arg0: i32, %arg1: memref<39xi32, #tpu.memory_space<smem>>, %arg2: memref<39xi32, #tpu.memory_space<smem>>, %arg3: memref<39xi32, #tpu.memory_space<smem>>, %arg4: memref<39xi32, #tpu.memory_space<smem>>, %arg5: memref<39xi32, #tpu.memory_space<smem>>, %arg6: memref<39xi32, #tpu.memory_space<smem>>) -> (i32, i32) {
    %c0_i32 = arith.constant 0 : i32
    %c0_i32_0 = arith.constant 0 : i32
    %c0_i32_1 = arith.constant 0 : i32
    return %c0_i32, %c0_i32_0 : i32, i32
  }
  func.func @transform_4(%arg0: i32, %arg1: memref<39xi32, #tpu.memory_space<smem>>, %arg2: memref<39xi32, #tpu.memory_space<smem>>, %arg3: memref<39xi32, #tpu.memory_space<smem>>, %arg4: memref<39xi32, #tpu.memory_space<smem>>, %arg5: memref<39xi32, #tpu.memory_space<smem>>, %arg6: memref<39xi32, #tpu.memory_space<smem>>) -> (i32, i32) {
    %c0_i32 = arith.constant 0 : i32
    %c0_i32_0 = arith.constant 0 : i32
    %c0_i32_1 = arith.constant 0 : i32
    return %c0_i32, %c0_i32_0 : i32, i32
  }
  func.func @transform_5(%arg0: i32, %arg1: memref<39xi32, #tpu.memory_space<smem>>, %arg2: memref<39xi32, #tpu.memory_space<smem>>, %arg3: memref<39xi32, #tpu.memory_space<smem>>, %arg4: memref<39xi32, #tpu.memory_space<smem>>, %arg5: memref<39xi32, #tpu.memory_space<smem>>, %arg6: memref<39xi32, #tpu.memory_space<smem>>) -> (i32, i32, i32) {
    %get3A = arith.index_cast %arg0 : i32 to index
    %get3A_0 = memref.load %arg2[%get3A] : memref<39xi32, #tpu.memory_space<smem>>
    %c0_i32 = arith.constant 0 : i32
    %c0_i32_1 = arith.constant 0 : i32
    %c0_i32_2 = arith.constant 0 : i32
    return %get3A_0, %c0_i32, %c0_i32_1 : i32, i32, i32
  }
  func.func @transform_6(%arg0: i32, %arg1: memref<39xi32, #tpu.memory_space<smem>>, %arg2: memref<39xi32, #tpu.memory_space<smem>>, %arg3: memref<39xi32, #tpu.memory_space<smem>>, %arg4: memref<39xi32, #tpu.memory_space<smem>>, %arg5: memref<39xi32, #tpu.memory_space<smem>>, %arg6: memref<39xi32, #tpu.memory_space<smem>>) -> (i32, i32, i32) {
    %get3A = arith.index_cast %arg0 : i32 to index
    %get3A_0 = memref.load %arg2[%get3A] : memref<39xi32, #tpu.memory_space<smem>>
    %c0_i32 = arith.constant 0 : i32
    %c0_i32_1 = arith.constant 0 : i32
    %c0_i32_2 = arith.constant 0 : i32
    return %get3A_0, %c0_i32, %c0_i32_1 : i32, i32, i32
  }
  func.func @transform_7(%arg0: i32, %arg1: memref<39xi32, #tpu.memory_space<smem>>, %arg2: memref<39xi32, #tpu.memory_space<smem>>, %arg3: memref<39xi32, #tpu.memory_space<smem>>, %arg4: memref<39xi32, #tpu.memory_space<smem>>, %arg5: memref<39xi32, #tpu.memory_space<smem>>, %arg6: memref<39xi32, #tpu.memory_space<smem>>) -> (i32, i32, i32) {
    %get3A = arith.index_cast %arg0 : i32 to index
    %get3A_0 = memref.load %arg2[%get3A] : memref<39xi32, #tpu.memory_space<smem>>
    %c0_i32 = arith.constant 0 : i32
    %c0_i32_1 = arith.constant 0 : i32
    %c0_i32_2 = arith.constant 0 : i32
    return %get3A_0, %c0_i32, %c0_i32_1 : i32, i32, i32
  }
  func.func @transform_8(%arg0: i32, %arg1: memref<39xi32, #tpu.memory_space<smem>>, %arg2: memref<39xi32, #tpu.memory_space<smem>>, %arg3: memref<39xi32, #tpu.memory_space<smem>>, %arg4: memref<39xi32, #tpu.memory_space<smem>>, %arg5: memref<39xi32, #tpu.memory_space<smem>>, %arg6: memref<39xi32, #tpu.memory_space<smem>>) -> (i32, i32, i32) {
    %get3A = arith.index_cast %arg0 : i32 to index
    %get3A_0 = memref.load %arg2[%get3A] : memref<39xi32, #tpu.memory_space<smem>>
    %c0_i32 = arith.constant 0 : i32
    %c0_i32_1 = arith.constant 0 : i32
    %c0_i32_2 = arith.constant 0 : i32
    return %get3A_0, %c0_i32, %c0_i32_1 : i32, i32, i32
  }
  func.func @transform_9(%arg0: i32, %arg1: memref<39xi32, #tpu.memory_space<smem>>, %arg2: memref<39xi32, #tpu.memory_space<smem>>, %arg3: memref<39xi32, #tpu.memory_space<smem>>, %arg4: memref<39xi32, #tpu.memory_space<smem>>, %arg5: memref<39xi32, #tpu.memory_space<smem>>, %arg6: memref<39xi32, #tpu.memory_space<smem>>) -> (i32, i32) {
    %c0_i32 = arith.constant 0 : i32
    %c0_i32_0 = arith.constant 0 : i32
    %c0_i32_1 = arith.constant 0 : i32
    return %c0_i32, %c0_i32_0 : i32, i32
  }
  func.func @transform_10(%arg0: i32, %arg1: memref<39xi32, #tpu.memory_space<smem>>, %arg2: memref<39xi32, #tpu.memory_space<smem>>, %arg3: memref<39xi32, #tpu.memory_space<smem>>, %arg4: memref<39xi32, #tpu.memory_space<smem>>, %arg5: memref<39xi32, #tpu.memory_space<smem>>, %arg6: memref<39xi32, #tpu.memory_space<smem>>) -> i32 {
    %c0_i32 = arith.constant 0 : i32
    %c0_i32_0 = arith.constant 0 : i32
    return %c0_i32 : i32
  }
  func.func @transform_11(%arg0: i32, %arg1: memref<39xi32, #tpu.memory_space<smem>>, %arg2: memref<39xi32, #tpu.memory_space<smem>>, %arg3: memref<39xi32, #tpu.memory_space<smem>>, %arg4: memref<39xi32, #tpu.memory_space<smem>>, %arg5: memref<39xi32, #tpu.memory_space<smem>>, %arg6: memref<39xi32, #tpu.memory_space<smem>>) -> (i32, i32) {
    %c0_i32 = arith.constant 0 : i32
    %c0_i32_0 = arith.constant 0 : i32
    %c0_i32_1 = arith.constant 0 : i32
    return %c0_i32, %c0_i32_0 : i32, i32
  }
  func.func @transform_12(%arg0: i32, %arg1: memref<39xi32, #tpu.memory_space<smem>>, %arg2: memref<39xi32, #tpu.memory_space<smem>>, %arg3: memref<39xi32, #tpu.memory_space<smem>>, %arg4: memref<39xi32, #tpu.memory_space<smem>>, %arg5: memref<39xi32, #tpu.memory_space<smem>>, %arg6: memref<39xi32, #tpu.memory_space<smem>>) -> (i32, i32) {
    %c0_i32 = arith.constant 0 : i32
    %c0_i32_0 = arith.constant 0 : i32
    %c0_i32_1 = arith.constant 0 : i32
    return %c0_i32, %c0_i32_0 : i32, i32
  }
  func.func @transform_13(%arg0: i32, %arg1: memref<39xi32, #tpu.memory_space<smem>>, %arg2: memref<39xi32, #tpu.memory_space<smem>>, %arg3: memref<39xi32, #tpu.memory_space<smem>>, %arg4: memref<39xi32, #tpu.memory_space<smem>>, %arg5: memref<39xi32, #tpu.memory_space<smem>>, %arg6: memref<39xi32, #tpu.memory_space<smem>>) -> (i32, i32) {
    %c0_i32 = arith.constant 0 : i32
    %c0_i32_0 = arith.constant 0 : i32
    %c0_i32_1 = arith.constant 0 : i32
    return %c0_i32, %c0_i32_0 : i32, i32
  }
  func.func @transform_14(%arg0: i32, %arg1: memref<39xi32, #tpu.memory_space<smem>>, %arg2: memref<39xi32, #tpu.memory_space<smem>>, %arg3: memref<39xi32, #tpu.memory_space<smem>>, %arg4: memref<39xi32, #tpu.memory_space<smem>>, %arg5: memref<39xi32, #tpu.memory_space<smem>>, %arg6: memref<39xi32, #tpu.memory_space<smem>>) -> (i32, i32) {
    %c0_i32 = arith.constant 0 : i32
    %c0_i32_0 = arith.constant 0 : i32
    %c0_i32_1 = arith.constant 0 : i32
    return %c0_i32, %c0_i32_0 : i32, i32
  }
  func.func @transform_15(%arg0: i32, %arg1: memref<39xi32, #tpu.memory_space<smem>>, %arg2: memref<39xi32, #tpu.memory_space<smem>>, %arg3: memref<39xi32, #tpu.memory_space<smem>>, %arg4: memref<39xi32, #tpu.memory_space<smem>>, %arg5: memref<39xi32, #tpu.memory_space<smem>>, %arg6: memref<39xi32, #tpu.memory_space<smem>>) -> (i32, i32) {
    %get3A = arith.index_cast %arg0 : i32 to index
    %get3A_0 = memref.load %arg1[%get3A] : memref<39xi32, #tpu.memory_space<smem>>
    %c0_i32 = arith.constant 0 : i32
    %c0_i32_1 = arith.constant 0 : i32
    return %get3A_0, %c0_i32 : i32, i32
  }
  func.func @transform_16(%arg0: i32, %arg1: memref<39xi32, #tpu.memory_space<smem>>, %arg2: memref<39xi32, #tpu.memory_space<smem>>, %arg3: memref<39xi32, #tpu.memory_space<smem>>, %arg4: memref<39xi32, #tpu.memory_space<smem>>, %arg5: memref<39xi32, #tpu.memory_space<smem>>, %arg6: memref<39xi32, #tpu.memory_space<smem>>) -> (i32, i32) {
    %get3A = arith.index_cast %arg0 : i32 to index
    %get3A_0 = memref.load %arg1[%get3A] : memref<39xi32, #tpu.memory_space<smem>>
    %c0_i32 = arith.constant 0 : i32
    %c0_i32_1 = arith.constant 0 : i32
    return %get3A_0, %c0_i32 : i32, i32
  }
}

</mosaic_0001>

<sc_bundles>
// kernel: gather_offload_async_start.1
scs
__scs_entry_jumppad:
0x0: {  	(pc) =	sbr.rel $0x88, $3  }
0x1: {  	(tag) =	ssettag $0x0;
	lr =	simm.s32 $0x1  }
0x2: {  	[smem:$0x3F91] =	sst lr;
	_ =	strace $0xD0000000  }
0x3: {  	_ = 	snop  }
0x4: {  	_ = 	snop  }
0x5: {  	_ = 	snop  }
0x6: {  	_ = 	snop  }
0x7: {  	_ = 	snop  }
__scs_overlays_trampoline_lowered:
0x8: {  	[smem:$0x3FA0] =	sst s0  }
0x9: {  	[smem:$0x3FA1] =	sst s1  }
0xa: {  	[smem:$0x3FA2] =	sst s2  }
0xb: {  	[smem:$0x3FA3] =	sst s3  }
0xc: {  	[smem:$0x3FA4] =	sst s4  }
0xd: {  	[smem:$0x3FA5] =	sst s5  }
0xe: {  	[smem:$0x3FA6] =	sst s6  }
0xf: {  	[smem:$0x3FA7] =	sst s7  }
0x10: {  	[smem:$0x3FA8] =	sst s8  }
0x11: {  	[smem:$0x3FA9] =	sst s9;
	s0 =	simm.s32 @!p0 $0x0  }
0x12: {  	s1 =	sld [smem:$0x3F8F];
	s0 =	simm.s32 @p0 $0x1  }
0x13: {  	[smem:$0x3FAA] =	sst s0;
	s0 =	simm.s32 @!p1 $0x0  }
0x14: {  	s2 =	sld [smem:$0x3F8E];
	s0 =	simm.s32 @p1 $0x1  }
0x15: {  	[smem:$0x3FAB] =	sst s0;
	s0 =	simm.s32 @!p2 $0x0  }
0x16: {  	s3 =	sld [smem:$0x3FDB];
	s0 =	simm.s32 @p2 $0x1  }
0x17: {  	s4 =	simm.s32 $0x1BF5;
	[smem:$0x3FAD] =	sst s0  }
0x18: {  	s0 =	sld [smem:$0x3F90];
	_ =	swait.ge [sflag:s4], $0x0  }
0x19: {  	s7 =	sld [smem:$0x3F91]  }
0x1a: {  	s8 =	sadd.s32 $0xFFFFE003, lr  }
0x1b: {  	s9 =	sadd.s32 $0xFFFFFEF7, lr;
	s5 =	simm.s32 $0xFFFFFFFF;
	p2 =	slt.u32 s8, $0xFFFFF086  }
0x1c: {  	p1 =	slt.u32 s9, $0xF7A;
	s5 =	simm.s32 @!p2 $0x0  }
0x1d: {  	s5 =	simm.s32 @p1 $0x1;
	p0 =	seq.s32 s7, s2  }
0x1e: {  	s7 =	smul.u32 @!p0 $0xF7A, s2;
	p2 =	seq.s32 @!p0 s5, $0x0  }
0x1f: {  	s9 =	smul.u32 $0xF7A, s1;
	s8 =	simm.s32 @!p0 $0x1BF5;
	p2 =	por !p2, p0  }
0x20: {  	[sflag:s8] =	ssyncset.s32 @!p0 $0xFFFFF086;
	s6 =	sadd.s32 @!p0 s3, s7;
	s7 =	simm.s32 @!p0 $0x108  }
0x21: {  	s3 =	sadd.s32 s3, s9;
	s6 =	sadd.s32 @!p0 $0x88, s6;
	s7 =	simm.s32 @p2 $0x1082  }
0x22: {  	[simem:s7], [sflag:s8] =	dma.local @!p0 [hbm:s6], $0xF7A  }
0x23: {  	s9 =	sor.u32 $0xD0000000, s2;
	s6 =	simm.s32 $0x108;
	_ =	swait.ge @!p0 [sflag:s8], $0x0  }
0x24: {  	s3 =	sadd.s32 $0x88, s3;
	s6 =	simm.s32 @!p1 $0x1082;
	[sflag:s4] =	ssyncset.s32 $0xFFFFF086  }
0x25: {  	[simem:s6], [sflag:s4] =	dma.local [hbm:s3], $0xF7A  }
0x26: {  	[smem:$0x3F91] =	sst s1;
	(tag) =	ssettag s2;
	_ =	strace s9  }
0x27: {  	s1 =	sld [smem:$0x3FA1]  }
0x28: {  	s2 =	sld [smem:$0x3FA2]  }
0x29: {  	s4 =	sld [smem:$0x3FA4]  }
0x2a: {  	p0 =	seq.s32 s5, $0x0;
	s5 =	sld [smem:$0x3FA5]  }
0x2b: {  	s6 =	sld [smem:$0x3FA6]  }
0x2c: {  	s7 =	sld [smem:$0x3FA7]  }
0x2d: {  	s3 =	simm.s32 $0x108;
	s8 =	sld [smem:$0x3FA8]  }
0x2e: {  	s3 =	simm.s32 @!p0 $0x1082;
	s9 =	sld [smem:$0x3FA9]  }
0x2f: {  	lr =	sadd.s32 s0, s3;
	s0 =	sld [smem:$0x3FA0]  }
0x30: {  	s3 =	sld [smem:$0x3FA3]  }
0x31: {  	[smem:$0x3FAC] =	sst s10  }
0x32: {  	s10 =	sld [smem:$0x3FAA];
	_ =	sdelay $0x3  }
0x33: {  	p0 =	seq.s32 s10, $0x1;
	s10 =	sld [smem:$0x3FAC];
	_ =	sdelay $0x3  }
0x34: {  	[smem:$0x3FAC] =	sst s10  }
0x35: {  	s10 =	sld [smem:$0x3FAB];
	_ =	sdelay $0x3  }
0x36: {  	p1 =	seq.s32 s10, $0x1;
	s10 =	sld [smem:$0x3FAC];
	_ =	sdelay $0x3  }
0x37: {  	[smem:$0x3FAC] =	sst s10  }
0x38: {  	s10 =	sld [smem:$0x3FAD]  }
0x39: {  	_ = 	snop;
	(pc) =	sbr.ind lr, $3  }
0x3a: {  	_ = 	snop  }
0x3b: {  	_ = 	snop  }
0x3c: {  	p2 =	seq.s32 s10, $0x1;
	s10 =	sld [smem:$0x3FAC]  }
0x3d: {  	_ =	shalt  }
0x3e: {  	_ =	shalt  }
0x3f: {  	_ =	shalt  }
0x40: {  	_ =	shalt  }
0x41: {  	_ =	shalt  }
0x42: {  	_ =	shalt  }
0x43: {  	_ =	shalt  }
0x44: {  	_ =	shalt  }
0x45: {  	_ =	shalt  }
0x46: {  	_ =	shalt  }
0x47: {  	_ =	shalt  }
0x48: {  	_ =	shalt  }
0x49: {  	_ =	shalt  }
0x4a: {  	_ =	shalt  }
0x4b: {  	_ =	shalt  }
0x4c: {  	_ =	shalt  }
0x4d: {  	_ =	shalt  }
0x4e: {  	_ =	shalt  }
0x4f: {  	_ =	shalt  }
0x50: {  	_ =	shalt  }
0x51: {  	_ =	shalt  }
0x52: {  	_ =	shalt  }
0x53: {  	_ =	shalt  }
0x54: {  	_ =	shalt  }
0x55: {  	_ =	shalt  }
0x56: {  	_ =	shalt  }
0x57: {  	_ =	shalt  }
0x58: {  	_ =	shalt  }
0x59: {  	_ =	shalt  }
0x5a: {  	_ =	shalt  }
0x5b: {  	_ =	shalt  }
0x5c: {  	_ =	shalt  }
0x5d: {  	_ =	shalt  }
0x5e: {  	_ =	shalt  }
0x5f: {  	_ =	shalt  }
0x60: {  	_ =	shalt  }
0x61: {  	_ =	shalt  }
0x62: {  	_ =	shalt  }
0x63: {  	_ =	shalt  }
0x64: {  	_ =	shalt  }
0x65: {  	_ =	shalt  }
0x66: {  	_ =	shalt  }
0x67: {  	_ =	shalt  }
0x68: {  	_ =	shalt  }
0x69: {  	_ =	shalt  }
0x6a: {  	_ =	shalt  }
0x6b: {  	_ =	shalt  }
0x6c: {  	_ =	shalt  }
0x6d: {  	_ =	shalt  }
0x6e: {  	_ =	shalt  }
0x6f: {  	_ =	shalt  }
0x70: {  	_ =	shalt  }
0x71: {  	_ =	shalt  }
0x72: {  	_ =	shalt  }
0x73: {  	_ =	shalt  }
0x74: {  	_ =	shalt  }
0x75: {  	_ =	shalt  }
0x76: {  	_ =	shalt  }
0x77: {  	_ =	shalt  }
0x78: {  	_ =	shalt  }
0x79: {  	_ =	shalt  }
0x7a: {  	_ =	shalt  }
0x7b: {  	_ =	shalt  }
0x7c: {  	_ =	shalt  }
0x7d: {  	_ =	shalt  }
0x7e: {  	_ =	shalt  }
0x7f: {  	_ =	shalt  }
0x80: {  	_ =	shalt  }
0x81: {  	_ =	shalt  }
0x82: {  	_ =	shalt  }
0x83: {  	_ =	shalt  }
0x84: {  	_ =	shalt  }
0x85: {  	_ =	shalt  }
0x86: {  	_ =	shalt  }
0x87: {  	_ =	shalt  }
.Lfunc_end0:
.L_simem_size_0:
called_computation.1_lowered:
.L_overlay_start_0:
0x88: {  	s2 =	sld [smem:$0x3FD9]  }
0x89: {  	s3 =	sld [smem:$0x3FFE];
	_ =	sdelay $0x1  }
0x8a: {  	s1 =	srdreg.scid  }
0x8b: {  	s0 =	sand.u32 $0x1, s1  }
0x8c: {  	s15 =	sshll.u32 s0, $0xA;
	s2 =	sadd.s32 s3, s2  }
0x8d: {  	s2 =	sadd.s32 s2, s15  }
0x8e: {  	[smem:$0x3FB8] =	sst s2  }
0x8f: {  	_ = 	snop  }
0x90: {  	s2 =	sld [smem:$0x3FD0];
	_ =	sdelay $0x2  }
0x91: {  	s16 =	simm.s32 $0xB;
	s4 =	simm.s32 $0x10  }
0x92: {  	[smem:s4], [sflag:s16] =	dma.local [hbm:s2], $0x1  }
0x93: {  	_ =	swait.eq [sflag:s16], $0x1  }
0x94: {  	[sflag:s16] =	ssyncset.done $0x0  }
0x95: {  	[sflag:s16] =	ssyncadd.s32 $0xFFFFFFFF  }
0x96: {  	s17 =	sld [smem:$0x11];
	(tm) =	ssettm $0x1  }
0x97: {  	s18 =	sld [smem:$0x3FFB];
	_ =	sdelay $0x3  }
0x98: {  	_ =	strace s18  }
0x99: {  	s2 =	sld [smem:$0x3FFC];
	_ =	sdelay $0x3  }
0x9a: {  	_ =	strace s2  }
0x9b: {  	s2 =	sld [smem:$0x3FFD];
	_ =	sdelay $0x3  }
0x9c: {  	_ =	strace s2  }
0x9d: {  	_ =	strace $0x8FFFFFFF  }
0x9e: {  	s19 =	sld [smem:$0x3FDB];
	_ =	sdelay $0x1  }
0x9f: {  	s20 =	simm.s32 $_scs_section_size  }
0xa0: {  	s5 =	simm.s32 $_size__tile_overlayer_lowered;
	s6 =	simm.s32 $_tile_overlayer_lowered  }
0xa1: {  	s7 =	simm.s32 $0x1BFF;
	s21 =	sshll.u32 s6, $0x1;
	s4 =	sadd.s32 s20, s19  }
0xa2: {  	s22 =	simm.s32 $0x0;
	s5 =	sshll.u32 s5, $0x1;
	s6 =	sadd.s32 s21, s4  }
0xa3: {  	[timem:s22], [sflag:s7] =	dma.local [hbm:s6], s5  }
0xa4: {  	_ =	swait.ge [sflag:s7], s5  }
0xa5: {  	s5 =	ssub.s32 $0x0, s5;
	[sflag:s7] =	ssyncset.done $0x0  }
0xa6: {  	[sflag:s7] =	ssyncadd.s32 s5;
	_ =	sdelay $0x1  }
0xa7: {  	s23 =	simm.s32 $0x1B8B  }
0xa8: {  	_ =	swait.ge [sflag:s23], $0x1  }
0xa9: {  	[sflag:s23] =	ssyncset.done $0x0  }
0xaa: {  	[sflag:s23] =	ssyncadd.s32 $0xFFFFFFFF  }
0xab: {  	s5 =	sld [smem:$0x0]  }
0xac: {  	s6 =	sand.u32 $0xFFFFFFFE, s1  }
0xad: {  	p0 =	sne.s32 s1, s6  }
0xae: {  	s6 =	sshll.u32 @p0 s6, $0xE  }
0xaf: {  	s6 =	sadd.s32 @p0 $0x11B8D, s6;
	s7 =	sshll.u32 @p0 s5, $0x11  }
0xb0: {  	s6 =	sor.u32 @p0 s7, s6  }
0xb1: {  	[sflag:s6] =	ssyncadd.remote.s32 @p0 $0x1;
	_ =	sdelay $0x1  }
0xb2: {  	s6 =	simm.s32 @p0 $0x1B8D  }
0xb3: {  	_ =	swait.eq @p0 [sflag:s6], $0x1  }
0xb4: {  	[sflag:s6] =	ssyncadd.s32 @p0 $0xFFFFFFFF  }
0xb5: {  	s7 =	sshll.u32 @!p0 s1, $0xE  }
0xb6: {  	s7 =	sor.u32 @!p0 $0x4000, s7;
	s6 =	simm.s32 @!p0 $0x1B8D  }
0xb7: {  	s5 =	sshll.u32 @!p0 s5, $0x11;
	s7 =	sadd.s32 @!p0 $0x11B8D, s7;
	_ =	swait.eq @!p0 [sflag:s6], $0x1  }
0xb8: {  	s5 =	sor.u32 @!p0 s5, s7;
	[sflag:s6] =	ssyncadd.s32 @!p0 $0xFFFFFFFF  }
0xb9: {  	s25 =	simm.s32 $0x1B8E;
	s24 =	sld [smem:$0x3FFE];
	[sflag:s5] =	ssyncadd.remote.s32 @!p0 $0x1  }
0xba: {  	s26 =	simm.s32 $execute0_lowered;
	[smem:$0x3FD2] =	sst s25  }
0xbb: {  	s6 =	sshll.u32 s26, $0x1;
	_ =	strace $0x8000004C;
	[dreg:$0x1] =	wrdreg $0xFFFFFFFF  }
0xbc: {  	s28 =	simm.s32 $_size_execute0_lowered;
	s4 =	sadd.s32 s4, s6;
	[dreg:$0x0] =	wrdreg $0x0  }
0xbd: {  	s6 =	sshll.u32 s28, $0x1;
	[dreg:$0x2] =	wrdreg s4  }
0xbe: {  	[dreg:$0x3] =	wrdreg s6  }
0xbf: {  	[dreg:$0x4] =	wrdreg $0xC0  }
0xc0: {  	_ =	task [dreg:s22], $0x5FFFF  }
0xc1: {  	[dreg:$0x1] =	wrdreg $0xFFFFFFFF  }
0xc2: {  	[dreg:$0x0] =	wrdreg $0x60  }
0xc3: {  	[dreg:$0x2] =	wrdreg s24  }
0xc4: {  	[dreg:$0x3] =	wrdreg s17  }
0xc5: {  	[dreg:$0x4] =	wrdreg $0xA  }
0xc6: {  	_ =	task.clear_ibuf [dreg:s22], $0x5FFFF;
	_ =	strace $0x9000004C  }
0xc7: {  	s29 =	simm.s32 $0xA;
	_ =	strace $0x8000004E  }
0xc8: {  	_ =	swait.ge [sflag:s29], $0x1  }
0xc9: {  	[sflag:s29] =	ssyncadd.s32 $0xFFFFFFFF  }
0xca: {  	_ =	strace $0x9000004E  }
0xcb: {  	_ =	sfence  }
0xcc: {  	s30 =	sld [smem:$0x0];
	_ =	sdelay $0x2  }
0xcd: {  	s31 =	sshll.u32 s1, $0xD;
	s1 =	sshrl.u32 s1, $0x2  }
0xce: {  	s4 =	sand.u32 $0x4000, s31;
	s1 =	sadd.s32 s1, s30  }
0xcf: {  	s0 =	sor.u32 s4, s0;
	s1 =	sshll.u32 s1, $0x11  }
0xd0: {  	s0 =	sor.u32 s1, s0  }
0xd1: {  	s0 =	sadd.s32 $0x8F2B, s0  }
0xd2: {  	[sflag:s0] =	ssyncadd.remote.s32 $0x1  }
0xd3: {  	_ =	sfence.sel $0xFFFF  }
0xd4: {  	[dreg:$0x0] =	wrdreg $0xFFFFFFFF;
	(pc) =	sbr.abs _section_cstart, $3  }
0xd5: {  	[dreg:$0x1] =	wrdreg $0xFFFFFFFF  }
0xd6: {  	_ =	task.clear_ibuf [dreg:s22], $0x2FFFF;
	_ =	strace $0x9FFFFFFF  }
0xd7: {  	(tm) =	ssettm $0x7FFFFFFF  }
tec
execute0_lowered:
.L_overlay_start_1:
0x0: {  	(tag) =	ssettag $0x1  }
0x1: {  	s2 =	rddreg [dreg:$0x0]  }
0x2: {  	s3 =	rddreg [dreg:$0x1]  }
0x3: {  	s0 =	rddreg [dreg:$0x2];
	s1 =	srdreg.scid;
	_ =	strace $0x8000004D  }
0x4: {  	s4 =	simm.s32 $0x1;
	s9 =	simm.s32 $0x3;
	s5 =	sshll.u32 s1, $0x4  }
.Ltmp0:
0x5: {  	s1 =	stileid.u32;
	s5 =	sand.u32 $0x10, s5;
	(pc) =	sbr.rel .LBB2_1-.Ltmp0, $4  }
0x6: {  	s11 =	simm.s32 $0x0;
	p0 =	por $0x0, $0x0;
	s6 =	sor.u32 s1, s5  }
0x7: {  	[sflag:s4] =	ssyncpa.u1 $0x0;
	s5 =	simm.s32 $0x2;
	s6 =	sshll.u32 s6, $0x9  }
0x8: {  	s7 =	sadd.s32 $0x40800, s2;
	[sflag:s5] =	ssyncpa.u1 $0x0;
	s8 =	sadd.s32 $0x200, s6  }
0x9: {  	vm0 =	vmmov $0xff;
	vm1 =	vcmask $0x3F20;
	[sflag:s9] =	ssyncpa.u1 $0x0;
	s10 =	smov.u32 s6;
	s9 =	simm.s32 $0x0  }
.LBB2_7:
0xa: {  	p1 =	slt.u32 s9, $0x2;
	s11 =	sadd.s32 $0x100, s10  }
0xb: {  	s13 =	smov.u32 s6;
	s9 =	sadd.s32 $0x1, s9;
	p2 =	slt.s32 s11, s8  }
0xc: {  	s13 =	smov.u32 @p2 s11;
	p2 =	sne.s32 s9, $0x4  }
.Ltmp1:
0xd: {  	_ = 	snop;
	(pc) =	sbr.rel @!p2 .LBB2_8-.Ltmp1, $4  }
0xe: {  	s12 =	simm.s32 @!p1 $0x3  }
0xf: {  	_ =	swait.ge @!p1 [sflag:s12], $0x8000  }
0x10: {  	p0 =	por !p0, !p0;
	[sflag:s12] =	ssyncset.done @!p1 $0x0  }
0x11: {  	s11 =	smov.u32 s10;
	s10 =	smov.u32 s13;
	[sflag:s12] =	ssyncadd.s32 @!p1 $0xFFFF8000  }
.LBB2_1:
0x12: {  	p1 =	sgt.u32 s9, $0x1  }
0x13: {  	s12 =	sshll.u32 @!p1 s9, $0x8;
	s13 =	sshrl.u32 @!p1 s10, $0x3  }
0x14: {  	s14 =	sand.u32 @!p1 $0x7, s10;
	s12 =	sxor.u32 @!p1 $0x100, s12;
	s13 =	sadd.s32 @!p1 s3, s13  }
0x15: {  	[tilespmem:s12], [sflag:$0x2] =	stream.linear.gather @!p1 [hbm4b:s13+s14], $0x100, $0x38;
	[tilespmem:$0x10200] =	vst v63  }
0x16: {  	p1 =	seq.s32 s9, $0x0  }
0x17: {  	p2 =	seq.s32 @!p1 s9, $0x3  }
0x18: {  	p1 =	por p1, p2  }
.Ltmp2:
0x19: {  	_ = 	snop;
	(pc) =	sbr.rel @p1 .LBB2_7-.Ltmp2, $1  }
0x1a: {  	_ =	sdelay $0x3  }
0x1b: {  	s12 =	simm.s32 $0x1  }
0x1c: {  	_ =	swait.ge [sflag:s5], $0x100;
	s12 =	simm.s32 @!p0 $0x0  }
0x1d: {  	[sflag:s5] =	ssyncset.done $0x0;
	s14 =	sshll.u32 s12, $0x8  }
0x1e: {  	[sflag:s5] =	ssyncadd.s32 $0xFFFFFF00;
	s13 =	sadd.s32 $0x0, s14  }
0x1f: {  	v0 =	vld.msk [tilespmem:s13+$0x0 ss:$0x1], $0xffff;
	_ =	sdelay $0x4  }
0x20: {  	vm2 =	vgt.s32 v0, $0x0  }
0x21: {  	v0 =	vnsel vm2, $0x0, v0  }
0x22: {  	v0 =	vmin.u32 v0, $0x3FFF  }
0x23: {  	v0 =	vshll.u32 v0, $0x4;
	_ =	sdelay $0x2  }
0x24: {  	s12 =	sshll.u32 s12, $0xF  }
0x25: {  	s12 =	sor.u32 $0x200, s12  }
0x26: {  	[tilespmem:s12], [sflag:$0x1] =	stream.indirect_vreg.gather [hbm:s2], $0x80, v0, vm0, $0x38;
	[tilespmem:$0x10200] =	vst v63  }
0x27: {  	s15 =	sadd.s32 $0x10, s14;
	s13 =	sadd.s32 $0x400, s12  }
0x28: {  	[tilespmem:s13], [sflag:$0x1] =	stream.indirect_vreg.gather [hbm:s2], $0x80, v0, vm1, $0x38;
	[tilespmem:$0x10200] =	vst v63  }
0x29: {  	s16 =	simm.s32 $0x80;
	v0 =	vld.msk [tilespmem:s15+$0x0 ss:$0x1], $0xffff;
	s15 =	smov.u32 s12  }
.LBB2_3:
0x2a: {  	p1 =	sne.s32 s16, $0x3C0;
	_ =	sdelay $0x4  }
0x2b: {  	vm2 =	vgt.s32 v0, $0x0  }
0x2c: {  	v0 =	vnsel vm2, $0x0, v0  }
0x2d: {  	v0 =	vmin.u32 v0, $0x3FFF  }
0x2e: {  	v0 =	vshll.u32 v0, $0x4;
	_ =	sdelay $0x3  }
.Ltmp3:
0x2f: {  	s17 =	sshra.s32 s16, $0x2;
	s15 =	sadd.s32 $0x800, s15;
	(pc) =	sbr.rel @p1 .LBB2_3-.Ltmp3, $4  }
0x30: {  	[tilespmem:s15], [sflag:$0x1] =	stream.indirect_vreg.gather [hbm:s2], $0x80, v0, vm0, $0x38;
	[tilespmem:$0x10200] =	vst v63  }
0x31: {  	s17 =	sadd.s32 s17, s14;
	s18 =	sadd.s32 $0x400, s15  }
0x32: {  	[tilespmem:s18], [sflag:$0x1] =	stream.indirect_vreg.gather [hbm:s2], $0x80, v0, vm1, $0x38;
	[tilespmem:$0x10200] =	vst v63  }
0x33: {  	s16 =	sadd.s32 $0x40, s16;
	v0 =	vld.msk [tilespmem:s17+$0x0 ss:$0x1], $0xffff  }
0x34: {  	_ =	sdelay $0x3  }
0x35: {  	vm2 =	vgt.s32 v0, $0x0  }
0x36: {  	v0 =	vnsel vm2, $0x0, v0  }
0x37: {  	v0 =	vmin.u32 v0, $0x3FFF  }
0x38: {  	v0 =	vshll.u32 v0, $0x4;
	_ =	sdelay $0x3  }
0x39: {  	s14 =	sadd.s32 $0x800, s15  }
0x3a: {  	[tilespmem:s14], [sflag:$0x1] =	stream.indirect_vreg.gather [hbm:s2], $0x80, v0, vm0, $0x38;
	[tilespmem:$0x10200] =	vst v63  }
0x3b: {  	s14 =	sadd.s32 $0x400, s14  }
0x3c: {  	[tilespmem:s14], [sflag:$0x1] =	stream.indirect_vreg.gather [hbm:s2], $0x80, v0, vm1, $0x38;
	[tilespmem:$0x10200] =	vst v63  }
0x3d: {  	s11 =	sshll.u32 s11, $0x4;
	_ =	swait.ge [sflag:s4], $0x8000  }
0x3e: {  	s11 =	sadd.s32 s11, s7;
	[sflag:s4] =	ssyncset.done $0x0  }
0x3f: {  	s15 =	sadd.s32 $0x0, s11;
	s14 =	simm.s32 $0x80;
	[sflag:s4] =	ssyncadd.s32 $0xFFFF8000  }
.LBB2_5:
0x40: {  	[hbm:s15] =	stream.linear.scatter [tilespmem:s12], [sflag:$0x3], $0x400, $0x38;
	[tilespmem:$0x10200] =	vst v63  }
0x41: {  	s15 =	smov.u32 s14;
	s12 =	smov.u32 s13;
	p1 =	sne.s32 s14, $0xF80  }
.Ltmp4:
0x42: {  	s14 =	sadd.s32 $0x80, s14;
	(pc) =	sbr.rel @p1 .LBB2_5-.Ltmp4, $2  }
0x43: {  	_ =	sdelay $0x2  }
0x44: {  	s13 =	sadd.s32 $0x400, s13;
	s15 =	sadd.s32 s15, s11  }
.Ltmp5:
0x45: {  	(pc) =	sbr.rel .LBB2_7-.Ltmp5, $2  }
0x46: {  	_ =	sdelay $0x2  }
0x47: {  	[hbm:s15] =	stream.linear.scatter [tilespmem:s12], [sflag:$0x3], $0x400, $0x38;
	[tilespmem:$0x10200] =	vst v63  }
.LBB2_8:
0x48: {  	_ =	sfence.sel $0x180000  }
0x49: {  	s2 =	simm.s32 $0x2;
	[bflag:$0x0] =	sbarrier.arrive $0xFFFF  }
0x4a: {  	s30 =	simm.s32 $0x3;
	[sflag:s2] =	ssyncpa.u1 $0x1  }
0x4b: {  	s31 =	simm.s32 $0x1;
	[sflag:s30] =	ssyncpa.u1 $0x1  }
0x4c: {  	[sflag:s31] =	ssyncpa.u1 $0x1  }
0x4d: {  	p0 =	sne.s32 s1, $0x0;
	_ =	strace $0x9000004D  }
0x4e: {  	s0 =	sadd.s32 @!p0 $0x100000, s0;
	[bflag:$0x2] =	sbarrier.arrive $0xFFFF  }
0x4f: {  	[sflag:s0] =	ssyncadd.tile.s32 @!p0 $0x1;
	_ =	shalt  }
.Lfunc_end2:
_tile_overlayer_lowered:
.L_overlay_start_2:
0x50: {  	(tag) =	ssettag $0x2  }
0x51: {  	s0 =	rddreg [dreg:$0x0];
	s2 =	stileid.u32  }
0x52: {  	s1 =	rddreg [dreg:$0x1];
	p0 =	sne.s32 s2, $0x0  }
0x53: {  	s3 =	rddreg [dreg:$0x2];
	[bflag:$0x3] =	sbarrier.arrive $0xFFFF;
	s2 =	simm.s32 @!p0 $0x1C01  }
0x54: {  	[timem:s3], [sflag:s2] =	dma.local @!p0 [hbm:s0], s1  }
0x55: {  	s0 =	simm.s32 @!p0 $0x1  }
0x56: {  	_ =	swait.ge @!p0 [sflag:s0], s1  }
0x57: {  	s1 =	ssub.s32 @!p0 $0x0, s1;
	[sflag:s0] =	ssyncset.done @!p0 $0x0  }
0x58: {  	[sflag:s0] =	ssyncadd.s32 @!p0 s1  }
0x59: {  	[bflag:$0x3] =	sbarrier.arrive $0xFFFF  }
0x5a: {  	_ =	shalt  }

// kernel: gather_offload_async_start
scs
__scs_entry_jumppad:
0x0: {  	(pc) =	sbr.rel $0x88, $3  }
0x1: {  	(tag) =	ssettag $0x0;
	lr =	simm.s32 $0x1  }
0x2: {  	[smem:$0x3F91] =	sst lr;
	_ =	strace $0xD0000000  }
0x3: {  	_ = 	snop  }
0x4: {  	_ = 	snop  }
0x5: {  	_ = 	snop  }
0x6: {  	_ = 	snop  }
0x7: {  	_ = 	snop  }
__scs_overlays_trampoline_lowered:
0x8: {  	[smem:$0x3FA0] =	sst s0  }
0x9: {  	[smem:$0x3FA1] =	sst s1  }
0xa: {  	[smem:$0x3FA2] =	sst s2  }
0xb: {  	[smem:$0x3FA3] =	sst s3  }
0xc: {  	[smem:$0x3FA4] =	sst s4  }
0xd: {  	[smem:$0x3FA5] =	sst s5  }
0xe: {  	[smem:$0x3FA6] =	sst s6  }
0xf: {  	[smem:$0x3FA7] =	sst s7  }
0x10: {  	[smem:$0x3FA8] =	sst s8  }
0x11: {  	[smem:$0x3FA9] =	sst s9;
	s0 =	simm.s32 @!p0 $0x0  }
0x12: {  	s1 =	sld [smem:$0x3F8F];
	s0 =	simm.s32 @p0 $0x1  }
0x13: {  	[smem:$0x3FAA] =	sst s0;
	s0 =	simm.s32 @!p1 $0x0  }
0x14: {  	s2 =	sld [smem:$0x3F8E];
	s0 =	simm.s32 @p1 $0x1  }
0x15: {  	[smem:$0x3FAB] =	sst s0;
	s0 =	simm.s32 @!p2 $0x0  }
0x16: {  	s3 =	sld [smem:$0x3FDB];
	s0 =	simm.s32 @p2 $0x1  }
0x17: {  	s4 =	simm.s32 $0x1BF5;
	[smem:$0x3FAD] =	sst s0  }
0x18: {  	s0 =	sld [smem:$0x3F90];
	_ =	swait.ge [sflag:s4], $0x0  }
0x19: {  	s7 =	sld [smem:$0x3F91]  }
0x1a: {  	s8 =	sadd.s32 $0xFFFFE003, lr  }
0x1b: {  	s9 =	sadd.s32 $0xFFFFFEF7, lr;
	s5 =	simm.s32 $0xFFFFFFFF;
	p2 =	slt.u32 s8, $0xFFFFF086  }
0x1c: {  	p1 =	slt.u32 s9, $0xF7A;
	s5 =	simm.s32 @!p2 $0x0  }
0x1d: {  	s5 =	simm.s32 @p1 $0x1;
	p0 =	seq.s32 s7, s2  }
0x1e: {  	s7 =	smul.u32 @!p0 $0xF7A, s2;
	p2 =	seq.s32 @!p0 s5, $0x0  }
0x1f: {  	s9 =	smul.u32 $0xF7A, s1;
	s8 =	simm.s32 @!p0 $0x1BF5;
	p2 =	por !p2, p0  }
0x20: {  	[sflag:s8] =	ssyncset.s32 @!p0 $0xFFFFF086;
	s6 =	sadd.s32 @!p0 s3, s7;
	s7 =	simm.s32 @!p0 $0x108  }
0x21: {  	s3 =	sadd.s32 s3, s9;
	s6 =	sadd.s32 @!p0 $0x88, s6;
	s7 =	simm.s32 @p2 $0x1082  }
0x22: {  	[simem:s7], [sflag:s8] =	dma.local @!p0 [hbm:s6], $0xF7A  }
0x23: {  	s9 =	sor.u32 $0xD0000000, s2;
	s6 =	simm.s32 $0x108;
	_ =	swait.ge @!p0 [sflag:s8], $0x0  }
0x24: {  	s3 =	sadd.s32 $0x88, s3;
	s6 =	simm.s32 @!p1 $0x1082;
	[sflag:s4] =	ssyncset.s32 $0xFFFFF086  }
0x25: {  	[simem:s6], [sflag:s4] =	dma.local [hbm:s3], $0xF7A  }
0x26: {  	[smem:$0x3F91] =	sst s1;
	(tag) =	ssettag s2;
	_ =	strace s9  }
0x27: {  	s1 =	sld [smem:$0x3FA1]  }
0x28: {  	s2 =	sld [smem:$0x3FA2]  }
0x29: {  	s4 =	sld [smem:$0x3FA4]  }
0x2a: {  	p0 =	seq.s32 s5, $0x0;
	s5 =	sld [smem:$0x3FA5]  }
0x2b: {  	s6 =	sld [smem:$0x3FA6]  }
0x2c: {  	s7 =	sld [smem:$0x3FA7]  }
0x2d: {  	s3 =	simm.s32 $0x108;
	s8 =	sld [smem:$0x3FA8]  }
0x2e: {  	s3 =	simm.s32 @!p0 $0x1082;
	s9 =	sld [smem:$0x3FA9]  }
0x2f: {  	lr =	sadd.s32 s0, s3;
	s0 =	sld [smem:$0x3FA0]  }
0x30: {  	s3 =	sld [smem:$0x3FA3]  }
0x31: {  	[smem:$0x3FAC] =	sst s10  }
0x32: {  	s10 =	sld [smem:$0x3FAA];
	_ =	sdelay $0x3  }
0x33: {  	p0 =	seq.s32 s10, $0x1;
	s10 =	sld [smem:$0x3FAC];
	_ =	sdelay $0x3  }
0x34: {  	[smem:$0x3FAC] =	sst s10  }
0x35: {  	s10 =	sld [smem:$0x3FAB];
	_ =	sdelay $0x3  }
0x36: {  	p1 =	seq.s32 s10, $0x1;
	s10 =	sld [smem:$0x3FAC];
	_ =	sdelay $0x3  }
0x37: {  	[smem:$0x3FAC] =	sst s10  }
0x38: {  	s10 =	sld [smem:$0x3FAD]  }
0x39: {  	_ = 	snop;
	(pc) =	sbr.ind lr, $3  }
0x3a: {  	_ = 	snop  }
0x3b: {  	_ = 	snop  }
0x3c: {  	p2 =	seq.s32 s10, $0x1;
	s10 =	sld [smem:$0x3FAC]  }
0x3d: {  	_ =	shalt  }
0x3e: {  	_ =	shalt  }
0x3f: {  	_ =	shalt  }
0x40: {  	_ =	shalt  }
0x41: {  	_ =	shalt  }
0x42: {  	_ =	shalt  }
0x43: {  	_ =	shalt  }
0x44: {  	_ =	shalt  }
0x45: {  	_ =	shalt  }
0x46: {  	_ =	shalt  }
0x47: {  	_ =	shalt  }
0x48: {  	_ =	shalt  }
0x49: {  	_ =	shalt  }
0x4a: {  	_ =	shalt  }
0x4b: {  	_ =	shalt  }
0x4c: {  	_ =	shalt  }
0x4d: {  	_ =	shalt  }
0x4e: {  	_ =	shalt  }
0x4f: {  	_ =	shalt  }
0x50: {  	_ =	shalt  }
0x51: {  	_ =	shalt  }
0x52: {  	_ =	shalt  }
0x53: {  	_ =	shalt  }
0x54: {  	_ =	shalt  }
0x55: {  	_ =	shalt  }
0x56: {  	_ =	shalt  }
0x57: {  	_ =	shalt  }
0x58: {  	_ =	shalt  }
0x59: {  	_ =	shalt  }
0x5a: {  	_ =	shalt  }
0x5b: {  	_ =	shalt  }
0x5c: {  	_ =	shalt  }
0x5d: {  	_ =	shalt  }
0x5e: {  	_ =	shalt  }
0x5f: {  	_ =	shalt  }
0x60: {  	_ =	shalt  }
0x61: {  	_ =	shalt  }
0x62: {  	_ =	shalt  }
0x63: {  	_ =	shalt  }
0x64: {  	_ =	shalt  }
0x65: {  	_ =	shalt  }
0x66: {  	_ =	shalt  }
0x67: {  	_ =	shalt  }
0x68: {  	_ =	shalt  }
0x69: {  	_ =	shalt  }
0x6a: {  	_ =	shalt  }
0x6b: {  	_ =	shalt  }
0x6c: {  	_ =	shalt  }
0x6d: {  	_ =	shalt  }
0x6e: {  	_ =	shalt  }
0x6f: {  	_ =	shalt  }
0x70: {  	_ =	shalt  }
0x71: {  	_ =	shalt  }
0x72: {  	_ =	shalt  }
0x73: {  	_ =	shalt  }
0x74: {  	_ =	shalt  }
0x75: {  	_ =	shalt  }
0x76: {  	_ =	shalt  }
0x77: {  	_ =	shalt  }
0x78: {  	_ =	shalt  }
0x79: {  	_ =	shalt  }
0x7a: {  	_ =	shalt  }
0x7b: {  	_ =	shalt  }
0x7c: {  	_ =	shalt  }
0x7d: {  	_ =	shalt  }
0x7e: {  	_ =	shalt  }
0x7f: {  	_ =	shalt  }
0x80: {  	_ =	shalt  }
0x81: {  	_ =	shalt  }
0x82: {  	_ =	shalt  }
0x83: {  	_ =	shalt  }
0x84: {  	_ =	shalt  }
0x85: {  	_ =	shalt  }
0x86: {  	_ =	shalt  }
0x87: {  	_ =	shalt  }
.Lfunc_end0:
.L_simem_size_0:
called_computation_lowered:
.L_overlay_start_0:
0x88: {  	s2 =	sld [smem:$0x3FD9]  }
0x89: {  	s3 =	sld [smem:$0x3FFE];
	_ =	sdelay $0x1  }
0x8a: {  	s1 =	srdreg.scid  }
0x8b: {  	s0 =	sand.u32 $0x1, s1  }
0x8c: {  	s14 =	sshll.u32 s0, $0xA;
	s2 =	sadd.s32 s3, s2  }
0x8d: {  	s2 =	sadd.s32 s2, s14  }
0x8e: {  	[smem:$0x3FB8] =	sst s2  }
0x8f: {  	_ = 	snop  }
0x90: {  	s2 =	sld [smem:$0x3FD0];
	_ =	sdelay $0x2  }
0x91: {  	s15 =	simm.s32 $0xB;
	s4 =	simm.s32 $0x10  }
0x92: {  	[smem:s4], [sflag:s15] =	dma.local [hbm:s2], $0x1  }
0x93: {  	_ =	swait.eq [sflag:s15], $0x1  }
0x94: {  	[sflag:s15] =	ssyncset.done $0x0  }
0x95: {  	s16 =	sld [smem:$0x10];
	[sflag:s15] =	ssyncadd.s32 $0xFFFFFFFF  }
0x96: {  	s17 =	sld [smem:$0x11];
	(tm) =	ssettm $0x1  }
0x97: {  	s18 =	sld [smem:$0x3FFB];
	_ =	sdelay $0x3  }
0x98: {  	_ =	strace s18  }
0x99: {  	s4 =	sld [smem:$0x3FFC];
	_ =	sdelay $0x3  }
0x9a: {  	_ =	strace s4  }
0x9b: {  	s4 =	sld [smem:$0x3FFD];
	_ =	sdelay $0x3  }
0x9c: {  	_ =	strace s4  }
0x9d: {  	_ =	strace $0x8FFFFFFF  }
0x9e: {  	s19 =	sld [smem:$0x3FDB];
	_ =	sdelay $0x1  }
0x9f: {  	s5 =	simm.s32 $_scs_section_size  }
0xa0: {  	s6 =	simm.s32 $_size__tile_overlayer_lowered;
	s7 =	simm.s32 $_tile_overlayer_lowered  }
0xa1: {  	s22 =	simm.s32 $0x1BFF;
	s21 =	sshll.u32 s7, $0x1;
	s4 =	sadd.s32 s5, s19  }
0xa2: {  	s8 =	simm.s32 $0x0;
	s20 =	sshll.u32 s6, $0x1;
	s6 =	sadd.s32 s21, s4  }
0xa3: {  	[timem:s8], [sflag:s22] =	dma.local [hbm:s6], s20  }
0xa4: {  	_ =	swait.ge [sflag:s22], s20  }
0xa5: {  	s5 =	ssub.s32 $0x0, s20;
	[sflag:s22] =	ssyncset.done $0x0  }
0xa6: {  	[sflag:s22] =	ssyncadd.s32 s5;
	_ =	sdelay $0x1  }
0xa7: {  	s23 =	simm.s32 $0x1B8B  }
0xa8: {  	_ =	swait.ge [sflag:s23], $0x1  }
0xa9: {  	[sflag:s23] =	ssyncset.done $0x0  }
0xaa: {  	s25 =	simm.s32 $0x1B8E;
	s24 =	sld [smem:$0x3FFE];
	[sflag:s23] =	ssyncadd.s32 $0xFFFFFFFF  }
0xab: {  	s26 =	simm.s32 $execute0_lowered;
	[smem:$0x3FD2] =	sst s25  }
0xac: {  	s6 =	sshll.u32 s26, $0x1;
	_ =	strace $0x80000049;
	[dreg:$0x1] =	wrdreg $0xFFFFFFFF  }
0xad: {  	s28 =	simm.s32 $_size_execute0_lowered;
	s4 =	sadd.s32 s4, s6;
	[dreg:$0x0] =	wrdreg $0x0  }
0xae: {  	s6 =	sshll.u32 s28, $0x1;
	[dreg:$0x2] =	wrdreg s4  }
0xaf: {  	[dreg:$0x3] =	wrdreg s6  }
0xb0: {  	[dreg:$0x4] =	wrdreg $0xC0  }
0xb1: {  	_ =	task [dreg:s8], $0x5FFFF  }
0xb2: {  	[dreg:$0x1] =	wrdreg $0xFFFFFFFF  }
0xb3: {  	[dreg:$0x0] =	wrdreg $0x60  }
0xb4: {  	[dreg:$0x2] =	wrdreg s16  }
0xb5: {  	[dreg:$0x3] =	wrdreg s17  }
0xb6: {  	[dreg:$0x4] =	wrdreg s24  }
0xb7: {  	[dreg:$0x5] =	wrdreg $0x9  }
0xb8: {  	_ =	task.clear_ibuf [dreg:s8], $0x6FFFF;
	_ =	strace $0x90000049  }
0xb9: {  	s29 =	simm.s32 $0x9;
	_ =	strace $0x8000004B  }
0xba: {  	_ =	swait.ge [sflag:s29], $0x1  }
0xbb: {  	[sflag:s29] =	ssyncadd.s32 $0xFFFFFFFF  }
0xbc: {  	_ =	strace $0x9000004B  }
0xbd: {  	_ =	sfence  }
0xbe: {  	s30 =	sld [smem:$0x0];
	_ =	sdelay $0x2  }
0xbf: {  	s31 =	sshll.u32 s1, $0xD;
	s1 =	sshrl.u32 s1, $0x2  }
0xc0: {  	s3 =	sand.u32 $0x4000, s31;
	s1 =	sadd.s32 s1, s30  }
0xc1: {  	s0 =	sor.u32 s3, s0;
	s1 =	sshll.u32 s1, $0x11  }
0xc2: {  	s0 =	sor.u32 s1, s0  }
0xc3: {  	s0 =	sadd.s32 $0x8F2B, s0  }
0xc4: {  	[sflag:s0] =	ssyncadd.remote.s32 $0x1  }
0xc5: {  	_ =	sfence.sel $0xFFFF  }
0xc6: {  	[dreg:$0x0] =	wrdreg $0xFFFFFFFF;
	(pc) =	sbr.abs _section_cstart, $3  }
0xc7: {  	[dreg:$0x1] =	wrdreg $0xFFFFFFFF  }
0xc8: {  	_ =	task.clear_ibuf [dreg:s8], $0x2FFFF;
	_ =	strace $0x9FFFFFFF  }
0xc9: {  	(tm) =	ssettm $0x7FFFFFFF  }
tec
execute0_lowered:
.L_overlay_start_1:
0x0: {  	(tag) =	ssettag $0x1  }
0x1: {  	s2 =	rddreg [dreg:$0x0]  }
0x2: {  	s1 =	srdreg.scid;
	s3 =	rddreg [dreg:$0x1]  }
0x3: {  	s0 =	stileid.u32;
	s5 =	rddreg [dreg:$0x2]  }
0x4: {  	s9 =	simm.s32 $0x1;
	s10 =	simm.s32 $0x3;
	s1 =	sshll.u32 s1, $0x8  }
0x5: {  	s13 =	simm.s32 $0x0;
	s4 =	sshll.u32 s0, $0x9;
	s6 =	sand.u32 $0x100, s1  }
0x6: {  	s12 =	simm.s32 $0x0;
	s5 =	sadd.s32 $0x40000, s5;
	s4 =	sor.u32 s4, s6  }
0x7: {  	s1 =	rddreg [dreg:$0x3];
	_ =	strace $0x8000004A;
	s8 =	ssub.s32 $0x4000, s4  }
.Ltmp0:
0x8: {  	s6 =	simm.s32 $0x1;
	s7 =	sand.u32 $0x1F00, s8;
	(pc) =	sbr.rel .LBB2_1-.Ltmp0, $4  }
0x9: {  	[sflag:s6] =	ssyncpa.u1 $0x0;
	s11 =	smov.u32 s4;
	p0 =	sne.s32 s7, $0x0  }
0xa: {  	s8 =	sshrl.u32 s8, $0xD;
	s7 =	simm.s32 $0x2;
	s9 =	simm.s32 @!p0 $0x0  }
0xb: {  	[sflag:s7] =	ssyncpa.u1 $0x0;
	p0 =	por $0x0, $0x0;
	s8 =	sadd.s32 s9, s8  }
0xc: {  	vm0 =	vmmov $0xffff;
	[sflag:s10] =	ssyncpa.u1 $0x0;
	s10 =	simm.s32 $0x0;
	s9 =	sadd.s32 $0x1, s8  }
.LBB2_4:
0xd: {  	v2 =	vnsel vm1, $0x0, v2  }
0xe: {  	vm1 =	vgt.s32 v0, $0x0;
	v2 =	vmin.u32 v2, $0x3FFF  }
0xf: {  	v0 =	vnsel vm1, $0x0, v0  }
0x10: {  	v0 =	vmin.u32 v0, $0x3FFF  }
0x11: {  	[tilespmem:s15], [sflag:$0x1] =	stream.indirect_vreg.gather [hbm4b:s2+s10], $0x1, v1, vm0, $0x4038;
	[tilespmem:$0x400] =	vst v63  }
0x12: {  	(ifvalue) =	ssetifvalue $0x7FFFFFFF  }
0x13: {  	[tilespmem:s16], [sflag:$0x1] =	stream.indirect_vreg.gather [hbm4b:s2+s10], $0x1, v2, vm0, $0x4038;
	[tilespmem:$0x400] =	vst v63  }
0x14: {  	s29 =	sadd.s32 $0x10, s16;
	(ifvalue) =	ssetifvalue $0x7FFFFFFF  }
0x15: {  	[tilespmem:s29], [sflag:$0x1] =	stream.indirect_vreg.gather [hbm4b:s2+s10], $0x1, v0, vm0, $0x4038;
	[tilespmem:$0x400] =	vst v63  }
0x16: {  	_ =	swait.ge [sflag:s6], $0x100  }
0x17: {  	s30 =	sshrl.u32 s13, $0x3;
	[sflag:s6] =	ssyncset.done $0x0  }
0x18: {  	s31 =	sand.u32 $0x7, s13;
	s15 =	sadd.s32 s5, s30;
	[sflag:s6] =	ssyncadd.s32 $0xFFFFFF00  }
0x19: {  	[hbm4b:s15+s31] =	stream.linear.scatter [tilespmem:s14], [sflag:$0x3], $0x100, $0x38;
	[tilespmem:$0x400] =	vst v63  }
.LBB2_5:
0x1a: {  	s15 =	sadd.s32 $0x2000, s11  }
0x1b: {  	p2 =	sgt.s32 s15, $0x3FFF  }
0x1c: {  	s15 =	smov.u32 @p2 s4;
	p2 =	sne.s32 s12, s9  }
.Ltmp1:
0x1d: {  	p1 =	slt.u32 s12, $0x2;
	(pc) =	sbr.rel @!p2 .LBB2_6-.Ltmp1, $4  }
0x1e: {  	s14 =	simm.s32 @!p1 $0x3  }
0x1f: {  	s16 =	sadd.s32 $0x1, s12;
	_ =	swait.ge @!p1 [sflag:s14], $0x100  }
0x20: {  	s13 =	smov.u32 s11;
	p0 =	por !p0, !p0;
	[sflag:s14] =	ssyncset.done @!p1 $0x0  }
0x21: {  	s12 =	smov.u32 s16;
	s11 =	smov.u32 s15;
	[sflag:s14] =	ssyncadd.s32 @!p1 $0xFFFFFF00  }
.LBB2_1:
0x22: {  	p1 =	sge.u32 s12, s8  }
0x23: {  	s14 =	sxor.u32 @!p1 $0xFFFFFFFF, s12  }
0x24: {  	s31 =	sadd.s32 $0xFFFFFFFF, s12;
	s15 =	sshrl.u32 @!p1 s11, $0x3;
	s14 =	sshll.u32 @!p1 s14, $0x8  }
0x25: {  	s16 =	sand.u32 @!p1 $0x7, s11;
	s15 =	sadd.s32 @!p1 s3, s15;
	s14 =	sand.u32 @!p1 $0x100, s14  }
0x26: {  	[tilespmem:s14], [sflag:$0x2] =	stream.linear.gather @!p1 [hbm4b:s15+s16], $0x100, $0x38;
	[tilespmem:$0x400] =	vst v63  }
0x27: {  	p1 =	sge.u32 s31, s8  }
.Ltmp2:
0x28: {  	_ = 	snop;
	(pc) =	sbr.rel @p1 .LBB2_5-.Ltmp2, $1  }
0x29: {  	_ =	sdelay $0x3  }
0x2a: {  	s14 =	simm.s32 $0x1  }
0x2b: {  	_ =	swait.ge [sflag:s7], $0x100;
	s14 =	simm.s32 @!p0 $0x0  }
0x2c: {  	[sflag:s7] =	ssyncset.done $0x0;
	s14 =	sshll.u32 s14, $0x8  }
0x2d: {  	[sflag:s7] =	ssyncadd.s32 $0xFFFFFF00;
	(ifvalue) =	ssetifvalue $0x7FFFFFFF;
	v0 =	vld.msk [tilespmem:s14+$0x0 ss:$0x1], $0xffff;
	_ =	sdelay $0x4  }
0x2e: {  	s15 =	sadd.s32 $0x10, s14;
	vm1 =	vgt.s32 v0, $0x0  }
0x2f: {  	v2 =	vld.msk [tilespmem:s15+$0x0 ss:$0x1], $0xffff;
	v1 =	vnsel vm1, $0x0, v0  }
0x30: {  	v1 =	vmin.u32 v1, $0x3FFF;
	_ =	sdelay $0x1  }
0x31: {  	s16 =	sshll.u32 s12, $0x8;
	s18 =	simm.s32 $0x20  }
0x32: {  	s16 =	sand.u32 $0x100, s16;
	s17 =	sadd.s32 $0x10, s15;
	s15 =	sor.u32 $0x200, s14  }
0x33: {  	s14 =	sor.u32 $0x200, s16;
	s16 =	sadd.s32 $0x10, s15;
	v0 =	vld.msk [tilespmem:s17+$0x0 ss:$0x1], $0xffff;
	vm1 =	vgt.s32 v2, $0x0;
	(ifvalue) =	ssetifvalue $0x7FFFFFFF  }
.LBB2_3:
0x34: {  	[tilespmem:s15], [sflag:$0x1] =	stream.indirect_vreg.gather [hbm4b:s2+s10], $0x1, v1, vm0, $0x4038;
	[tilespmem:$0x400] =	vst v63  }
0x35: {  	s18 =	sadd.s32 $0x10, s18  }
0x36: {  	v2 =	vnsel vm1, $0x0, v2;
	p1 =	slt.u32 s18, $0xF0  }
.Ltmp3:
0x37: {  	s15 =	smov.u32 s16;
	v1 =	vmin.u32 v2, $0x3FFF;
	(pc) =	sbr.rel @p1 .LBB2_3-.Ltmp3, $3  }
0x38: {  	_ =	sdelay $0x1  }
0x39: {  	s17 =	sadd.s32 $0x10, s17  }
0x3a: {  	vm1 =	vgt.s32 v0, $0x0;
	s16 =	sadd.s32 $0x10, s16;
	v2 =	vmov v0;
	(ifvalue) =	ssetifvalue $0x7FFFFFFF;
	v0 =	vld.msk [tilespmem:s17+$0x0 ss:$0x1], $0xffff  }
.Ltmp4:
0x3b: {  	_ = 	snop;
	(pc) =	sbr.rel .LBB2_4-.Ltmp4, $1  }
0x3c: {  	_ =	sdelay $0x3  }
.LBB2_6:
0x3d: {  	_ =	sfence.sel $0x180000  }
0x3e: {  	s2 =	simm.s32 $0x2;
	[bflag:$0x0] =	sbarrier.arrive $0xFFFF  }
0x3f: {  	s30 =	simm.s32 $0x3;
	[sflag:s2] =	ssyncpa.u1 $0x1  }
0x40: {  	s31 =	simm.s32 $0x1;
	[sflag:s30] =	ssyncpa.u1 $0x1  }
0x41: {  	[sflag:s31] =	ssyncpa.u1 $0x1  }
0x42: {  	p0 =	sne.s32 s0, $0x0;
	_ =	strace $0x9000004A  }
0x43: {  	s0 =	sadd.s32 @!p0 $0x100000, s1;
	[bflag:$0x2] =	sbarrier.arrive $0xFFFF  }
0x44: {  	[sflag:s0] =	ssyncadd.tile.s32 @!p0 $0x1;
	_ =	shalt  }
.Lfunc_end2:
_tile_overlayer_lowered:
.L_overlay_start_2:
0x45: {  	(tag) =	ssettag $0x2  }
0x46: {  	s0 =	rddreg [dreg:$0x0];
	s2 =	stileid.u32  }
0x47: {  	s1 =	rddreg [dreg:$0x1];
	p0 =	sne.s32 s2, $0x0  }
0x48: {  	s3 =	rddreg [dreg:$0x2];
	[bflag:$0x3] =	sbarrier.arrive $0xFFFF;
	s2 =	simm.s32 @!p0 $0x1C01  }
0x49: {  	[timem:s3], [sflag:s2] =	dma.local @!p0 [hbm:s0], s1  }
0x4a: {  	s0 =	simm.s32 @!p0 $0x1  }
0x4b: {  	_ =	swait.ge @!p0 [sflag:s0], s1  }
0x4c: {  	s1 =	ssub.s32 @!p0 $0x0, s1;
	[sflag:s0] =	ssyncset.done @!p0 $0x0  }
0x4d: {  	[sflag:s0] =	ssyncadd.s32 @!p0 s1  }
0x4e: {  	[bflag:$0x3] =	sbarrier.arrive $0xFFFF  }
0x4f: {  	_ =	shalt  }

// kernel: kernel.5.cloned.1.call-start
scs
__scs_entry_jumppad:
0x0: {  	(pc) =	sbr.rel $0x88, $3  }
0x1: {  	(tag) =	ssettag $0x0;
	lr =	simm.s32 $0x1  }
0x2: {  	[smem:$0x3F91] =	sst lr;
	_ =	strace $0xD0000000  }
0x3: {  	_ = 	snop  }
0x4: {  	_ = 	snop  }
0x5: {  	_ = 	snop  }
0x6: {  	_ = 	snop  }
0x7: {  	_ = 	snop  }
__scs_overlays_trampoline_lowered:
0x8: {  	[smem:$0x3FA0] =	sst s0  }
0x9: {  	[smem:$0x3FA1] =	sst s1  }
0xa: {  	[smem:$0x3FA2] =	sst s2  }
0xb: {  	[smem:$0x3FA3] =	sst s3  }
0xc: {  	[smem:$0x3FA4] =	sst s4  }
0xd: {  	[smem:$0x3FA5] =	sst s5  }
0xe: {  	[smem:$0x3FA6] =	sst s6  }
0xf: {  	[smem:$0x3FA7] =	sst s7  }
0x10: {  	[smem:$0x3FA8] =	sst s8  }
0x11: {  	[smem:$0x3FA9] =	sst s9;
	s0 =	simm.s32 @!p0 $0x0  }
0x12: {  	s1 =	sld [smem:$0x3F8F];
	s0 =	simm.s32 @p0 $0x1  }
0x13: {  	[smem:$0x3FAA] =	sst s0;
	s0 =	simm.s32 @!p1 $0x0  }
0x14: {  	s2 =	sld [smem:$0x3F8E];
	s0 =	simm.s32 @p1 $0x1  }
0x15: {  	[smem:$0x3FAB] =	sst s0;
	s0 =	simm.s32 @!p2 $0x0  }
0x16: {  	s3 =	sld [smem:$0x3FDB];
	s0 =	simm.s32 @p2 $0x1  }
0x17: {  	s4 =	simm.s32 $0x1BF5;
	[smem:$0x3FAD] =	sst s0  }
0x18: {  	s0 =	sld [smem:$0x3F90];
	_ =	swait.ge [sflag:s4], $0x0  }
0x19: {  	s7 =	sld [smem:$0x3F91]  }
0x1a: {  	s8 =	sadd.s32 $0xFFFFE003, lr  }
0x1b: {  	s9 =	sadd.s32 $0xFFFFFEF7, lr;
	s5 =	simm.s32 $0xFFFFFFFF;
	p2 =	slt.u32 s8, $0xFFFFF086  }
0x1c: {  	p1 =	slt.u32 s9, $0xF7A;
	s5 =	simm.s32 @!p2 $0x0  }
0x1d: {  	s5 =	simm.s32 @p1 $0x1;
	p0 =	seq.s32 s7, s2  }
0x1e: {  	s7 =	smul.u32 @!p0 $0xF7A, s2;
	p2 =	seq.s32 @!p0 s5, $0x0  }
0x1f: {  	s9 =	smul.u32 $0xF7A, s1;
	s8 =	simm.s32 @!p0 $0x1BF5;
	p2 =	por !p2, p0  }
0x20: {  	[sflag:s8] =	ssyncset.s32 @!p0 $0xFFFFF086;
	s6 =	sadd.s32 @!p0 s3, s7;
	s7 =	simm.s32 @!p0 $0x108  }
0x21: {  	s3 =	sadd.s32 s3, s9;
	s6 =	sadd.s32 @!p0 $0x88, s6;
	s7 =	simm.s32 @p2 $0x1082  }
0x22: {  	[simem:s7], [sflag:s8] =	dma.local @!p0 [hbm:s6], $0xF7A  }
0x23: {  	s9 =	sor.u32 $0xD0000000, s2;
	s6 =	simm.s32 $0x108;
	_ =	swait.ge @!p0 [sflag:s8], $0x0  }
0x24: {  	s3 =	sadd.s32 $0x88, s3;
	s6 =	simm.s32 @!p1 $0x1082;
	[sflag:s4] =	ssyncset.s32 $0xFFFFF086  }
0x25: {  	[simem:s6], [sflag:s4] =	dma.local [hbm:s3], $0xF7A  }
0x26: {  	[smem:$0x3F91] =	sst s1;
	(tag) =	ssettag s2;
	_ =	strace s9  }
0x27: {  	s1 =	sld [smem:$0x3FA1]  }
0x28: {  	s2 =	sld [smem:$0x3FA2]  }
0x29: {  	s4 =	sld [smem:$0x3FA4]  }
0x2a: {  	p0 =	seq.s32 s5, $0x0;
	s5 =	sld [smem:$0x3FA5]  }
0x2b: {  	s6 =	sld [smem:$0x3FA6]  }
0x2c: {  	s7 =	sld [smem:$0x3FA7]  }
0x2d: {  	s3 =	simm.s32 $0x108;
	s8 =	sld [smem:$0x3FA8]  }
0x2e: {  	s3 =	simm.s32 @!p0 $0x1082;
	s9 =	sld [smem:$0x3FA9]  }
0x2f: {  	lr =	sadd.s32 s0, s3;
	s0 =	sld [smem:$0x3FA0]  }
0x30: {  	s3 =	sld [smem:$0x3FA3]  }
0x31: {  	[smem:$0x3FAC] =	sst s10  }
0x32: {  	s10 =	sld [smem:$0x3FAA];
	_ =	sdelay $0x3  }
0x33: {  	p0 =	seq.s32 s10, $0x1;
	s10 =	sld [smem:$0x3FAC];
	_ =	sdelay $0x3  }
0x34: {  	[smem:$0x3FAC] =	sst s10  }
0x35: {  	s10 =	sld [smem:$0x3FAB];
	_ =	sdelay $0x3  }
0x36: {  	p1 =	seq.s32 s10, $0x1;
	s10 =	sld [smem:$0x3FAC];
	_ =	sdelay $0x3  }
0x37: {  	[smem:$0x3FAC] =	sst s10  }
0x38: {  	s10 =	sld [smem:$0x3FAD]  }
0x39: {  	_ = 	snop;
	(pc) =	sbr.ind lr, $3  }
0x3a: {  	_ = 	snop  }
0x3b: {  	_ = 	snop  }
0x3c: {  	p2 =	seq.s32 s10, $0x1;
	s10 =	sld [smem:$0x3FAC]  }
0x3d: {  	_ =	shalt  }
0x3e: {  	_ =	shalt  }
0x3f: {  	_ =	shalt  }
0x40: {  	_ =	shalt  }
0x41: {  	_ =	shalt  }
0x42: {  	_ =	shalt  }
0x43: {  	_ =	shalt  }
0x44: {  	_ =	shalt  }
0x45: {  	_ =	shalt  }
0x46: {  	_ =	shalt  }
0x47: {  	_ =	shalt  }
0x48: {  	_ =	shalt  }
0x49: {  	_ =	shalt  }
0x4a: {  	_ =	shalt  }
0x4b: {  	_ =	shalt  }
0x4c: {  	_ =	shalt  }
0x4d: {  	_ =	shalt  }
0x4e: {  	_ =	shalt  }
0x4f: {  	_ =	shalt  }
0x50: {  	_ =	shalt  }
0x51: {  	_ =	shalt  }
0x52: {  	_ =	shalt  }
0x53: {  	_ =	shalt  }
0x54: {  	_ =	shalt  }
0x55: {  	_ =	shalt  }
0x56: {  	_ =	shalt  }
0x57: {  	_ =	shalt  }
0x58: {  	_ =	shalt  }
0x59: {  	_ =	shalt  }
0x5a: {  	_ =	shalt  }
0x5b: {  	_ =	shalt  }
0x5c: {  	_ =	shalt  }
0x5d: {  	_ =	shalt  }
0x5e: {  	_ =	shalt  }
0x5f: {  	_ =	shalt  }
0x60: {  	_ =	shalt  }
0x61: {  	_ =	shalt  }
0x62: {  	_ =	shalt  }
0x63: {  	_ =	shalt  }
0x64: {  	_ =	shalt  }
0x65: {  	_ =	shalt  }
0x66: {  	_ =	shalt  }
0x67: {  	_ =	shalt  }
0x68: {  	_ =	shalt  }
0x69: {  	_ =	shalt  }
0x6a: {  	_ =	shalt  }
0x6b: {  	_ =	shalt  }
0x6c: {  	_ =	shalt  }
0x6d: {  	_ =	shalt  }
0x6e: {  	_ =	shalt  }
0x6f: {  	_ =	shalt  }
0x70: {  	_ =	shalt  }
0x71: {  	_ =	shalt  }
0x72: {  	_ =	shalt  }
0x73: {  	_ =	shalt  }
0x74: {  	_ =	shalt  }
0x75: {  	_ =	shalt  }
0x76: {  	_ =	shalt  }
0x77: {  	_ =	shalt  }
0x78: {  	_ =	shalt  }
0x79: {  	_ =	shalt  }
0x7a: {  	_ =	shalt  }
0x7b: {  	_ =	shalt  }
0x7c: {  	_ =	shalt  }
0x7d: {  	_ =	shalt  }
0x7e: {  	_ =	shalt  }
0x7f: {  	_ =	shalt  }
0x80: {  	_ =	shalt  }
0x81: {  	_ =	shalt  }
0x82: {  	_ =	shalt  }
0x83: {  	_ =	shalt  }
0x84: {  	_ =	shalt  }
0x85: {  	_ =	shalt  }
0x86: {  	_ =	shalt  }
0x87: {  	_ =	shalt  }
.Lfunc_end0:
.L_simem_size_0:
called_computation.2_lowered:
.L_overlay_start_0:
0x88: {  	s2 =	sld [smem:$0x3FD9]  }
0x89: {  	s3 =	sld [smem:$0x3FFE];
	_ =	sdelay $0x1  }
0x8a: {  	s1 =	srdreg.scid  }
0x8b: {  	s0 =	sand.u32 $0x1, s1  }
0x8c: {  	s14 =	sshll.u32 s0, $0xA;
	s2 =	sadd.s32 s3, s2  }
0x8d: {  	s2 =	sadd.s32 s2, s14  }
0x8e: {  	[smem:$0x3FB8] =	sst s2  }
0x8f: {  	_ = 	snop  }
0x90: {  	s2 =	sld [smem:$0x3FD0];
	_ =	sdelay $0x2  }
0x91: {  	s4 =	simm.s32 $0xB;
	s5 =	simm.s32 $0x10;
	s15 =	sld [smem:$0x3FC9]  }
0x92: {  	[smem:s5], [sflag:s4] =	dma.local [hbm:s2], $0x1  }
0x93: {  	_ =	swait.eq [sflag:s4], $0x1  }
0x94: {  	[sflag:s4] =	ssyncset.done $0x0  }
0x95: {  	[sflag:s4] =	ssyncadd.s32 $0xFFFFFFFF  }
0x96: {  	s16 =	sld [smem:$0x10];
	(tm) =	ssettm $0x1  }
0x97: {  	s17 =	sld [smem:$0x3FFB];
	_ =	sdelay $0x3  }
0x98: {  	_ =	strace s17  }
0x99: {  	s4 =	sld [smem:$0x3FFC];
	_ =	sdelay $0x3  }
0x9a: {  	_ =	strace s4  }
0x9b: {  	s4 =	sld [smem:$0x3FFD];
	_ =	sdelay $0x3  }
0x9c: {  	_ =	strace s4  }
0x9d: {  	_ =	strace $0x8FFFFFFF  }
0x9e: {  	s18 =	sld [smem:$0x3FDB];
	_ =	sdelay $0x1  }
0x9f: {  	s19 =	simm.s32 $_scs_section_size  }
0xa0: {  	s6 =	simm.s32 $_size__tile_overlayer_lowered;
	s7 =	simm.s32 $_tile_overlayer_lowered  }
0xa1: {  	s22 =	simm.s32 $0x1BFF;
	s21 =	sshll.u32 s7, $0x1;
	s4 =	sadd.s32 s19, s18  }
0xa2: {  	s8 =	simm.s32 $0x0;
	s20 =	sshll.u32 s6, $0x1;
	s6 =	sadd.s32 s21, s4  }
0xa3: {  	[timem:s8], [sflag:s22] =	dma.local [hbm:s6], s20  }
0xa4: {  	_ =	swait.ge [sflag:s22], s20  }
0xa5: {  	s5 =	ssub.s32 $0x0, s20;
	[sflag:s22] =	ssyncset.done $0x0  }
0xa6: {  	[sflag:s22] =	ssyncadd.s32 s5;
	_ =	sdelay $0x1  }
0xa7: {  	s23 =	simm.s32 $0x1B8B  }
0xa8: {  	_ =	swait.ge [sflag:s23], $0x1  }
0xa9: {  	[sflag:s23] =	ssyncset.done $0x0  }
0xaa: {  	s25 =	simm.s32 $0x1B8E;
	s24 =	sld [smem:$0x3FFE];
	[sflag:s23] =	ssyncadd.s32 $0xFFFFFFFF  }
0xab: {  	s26 =	simm.s32 $execute0_lowered;
	[smem:$0x3FD2] =	sst s25  }
0xac: {  	s6 =	sshll.u32 s26, $0x1;
	_ =	strace $0x80000046;
	[dreg:$0x1] =	wrdreg $0xFFFFFFFF  }
0xad: {  	s28 =	simm.s32 $_size_execute0_lowered;
	s4 =	sadd.s32 s4, s6;
	[dreg:$0x0] =	wrdreg $0x0  }
0xae: {  	s6 =	sshll.u32 s28, $0x1;
	[dreg:$0x2] =	wrdreg s4  }
0xaf: {  	[dreg:$0x3] =	wrdreg s6  }
0xb0: {  	[dreg:$0x4] =	wrdreg $0xC0  }
0xb1: {  	_ =	task [dreg:s8], $0x5FFFF  }
0xb2: {  	[dreg:$0x1] =	wrdreg $0xFFFFFFFF  }
0xb3: {  	[dreg:$0x0] =	wrdreg $0x60  }
0xb4: {  	[dreg:$0x2] =	wrdreg s15  }
0xb5: {  	[dreg:$0x3] =	wrdreg s16  }
0xb6: {  	[dreg:$0x4] =	wrdreg s24  }
0xb7: {  	[dreg:$0x5] =	wrdreg $0x9  }
0xb8: {  	_ =	task.clear_ibuf [dreg:s8], $0x6FFFF;
	_ =	strace $0x90000046  }
0xb9: {  	s29 =	simm.s32 $0x9;
	_ =	strace $0x80000048  }
0xba: {  	_ =	swait.ge [sflag:s29], $0x1  }
0xbb: {  	[sflag:s29] =	ssyncadd.s32 $0xFFFFFFFF  }
0xbc: {  	_ =	strace $0x90000048  }
0xbd: {  	_ =	sfence  }
0xbe: {  	s30 =	sld [smem:$0x0];
	_ =	sdelay $0x2  }
0xbf: {  	s31 =	sshll.u32 s1, $0xD;
	s1 =	sshrl.u32 s1, $0x2  }
0xc0: {  	s3 =	sand.u32 $0x4000, s31;
	s1 =	sadd.s32 s1, s30  }
0xc1: {  	s0 =	sor.u32 s3, s0;
	s1 =	sshll.u32 s1, $0x11  }
0xc2: {  	s0 =	sor.u32 s1, s0  }
0xc3: {  	s0 =	sadd.s32 $0x8F2B, s0  }
0xc4: {  	[sflag:s0] =	ssyncadd.remote.s32 $0x1  }
0xc5: {  	_ =	sfence.sel $0xFFFF  }
0xc6: {  	[dreg:$0x0] =	wrdreg $0xFFFFFFFF;
	(pc) =	sbr.abs _section_cstart, $3  }
0xc7: {  	[dreg:$0x1] =	wrdreg $0xFFFFFFFF  }
0xc8: {  	_ =	task.clear_ibuf [dreg:s8], $0x2FFFF;
	_ =	strace $0x9FFFFFFF  }
0xc9: {  	(tm) =	ssettm $0x7FFFFFFF  }
tec
execute0_lowered:
.L_overlay_start_1:
0x0: {  	(tag) =	ssettag $0x1  }
0x1: {  	s1 =	srdreg.scid;
	s2 =	stileid.u32  }
0x2: {  	s0 =	rddreg [dreg:$0x0];
	s1 =	sand.u32 $0x1, s1;
	s3 =	sshll.u32 s2, $0x1  }
0x3: {  	s4 =	rddreg [dreg:$0x1];
	s5 =	sor.u32 s1, s3  }
0x4: {  	s2 =	rddreg [dreg:$0x2];
	s3 =	simm.s32 $0x0;
	s6 =	sshll.u32 s5, $0x6  }
0x5: {  	[smem:$0x7FF] =	sst s3;
	s23 =	sshll.u32 s5, $0xF;
	s6 =	sadd.s32 s4, s6  }
0x6: {  	_ =	strace $0x80000047;
	s5 =	sadd.s32 s0, s23;
	[dreg:$0xa] =	wrdreg s6  }
0x7: {  	s8 =	simm.s32 $0x2;
	s24 =	sadd.s32 $0x10, s6;
	[dreg:$0xb] =	wrdreg s5  }
0x8: {  	s16 =	simm.s32 $0x1;
	s25 =	sadd.s32 $0x2000, s5;
	[dreg:$0x4] =	wrdreg s24  }
0x9: {  	s1 =	ssub.s32 $0x2, s1;
	s26 =	sadd.s32 $0x20, s6;
	[dreg:$0x5] =	wrdreg s25  }
0xa: {  	s28 =	sshrl.u32 s1, $0x1;
	s29 =	sadd.s32 $0x4000, s5;
	[dreg:$0x6] =	wrdreg s26  }
0xb: {  	v2 =	vlaneseq.u32;
	s1 =	ssub.s32 s1, s28;
	s30 =	sadd.s32 $0x30, s6;
	[dreg:$0x7] =	wrdreg s29  }
0xc: {  	vm0 =	vmmov $0xffff;
	v1 =	vshrl.u32 v2, $0x3;
	s6 =	sadd.s32 $0x100, s2;
	s31 =	sadd.s32 $0x6000, s5;
	[dreg:$0x8] =	wrdreg s30  }
0xd: {  	v0 =	vand.u32 $0x7, v2;
	v2 =	vor.u32 $0x8, v2;
	v1 =	vmul.u32 $0x8, v1;
	s7 =	smax.u32 s1, $0x1;
	[dreg:$0x9] =	wrdreg s31;
	s24 =	simm.s32 $0x80  }
.LBB2_1:
0xe: {  	s17 =	rddreg [dreg:$0xa]  }
0xf: {  	[tilespmem:s3], [sflag:$0x2] =	stream.linear.gather [hbm4b:s17+s3], $0x80, $0x38;
	[tilespmem:$0x10080] =	vst v63  }
0x10: {  	_ =	swait.ge [sflag:s8], $0x80  }
0x11: {  	[sflag:s8] =	ssyncset.done $0x0  }
0x12: {  	s23 =	rddreg [dreg:$0xb];
	[sflag:s8] =	ssyncadd.s32 $0xFFFFFF80  }
0x13: {  	[tilespmem:s24], [sflag:$0x2] =	stream.linear.gather [hbm4b:s23+s3], $0x10000, $0x38;
	[tilespmem:$0x10080] =	vst v63  }
0x14: {  	_ =	swait.ge [sflag:s8], $0x10000  }
0x15: {  	[sflag:s8] =	ssyncset.done $0x0  }
0x16: {  	[sflag:s8] =	ssyncadd.s32 $0xFFFF0000  }
0x17: {  	v3 =	vld [tilespmem:$0x0];
	_ =	sdelay $0x4  }
0x18: {  	v4 =	vshll.u32 v3, $0x2  }
0x19: {  	v3 =	vand.u32 $0x7, v3;
	v4 =	vand.u32 $0xFFFFFFE0, v4  }
0x1a: {  	v3 =	vor.u32 v3, v4  }
0x1b: {  	v4 =	vperm.xlane v3, v0;
	_ =	sdelay $0x1  }
0x1c: {  	v4 =	vadd.s32 v1, v4;
	_ =	sdelay $0x1  }
0x1d: {  	v3 =	vperm.xlane v3, v2;
	_ =	sdelay $0x1  }
0x1e: {  	v3 =	vadd.s32 v1, v3  }
0x1f: {  	[hbm4b:s2+s3] =	stream.indirect_vreg.scatter [tilespmem:s24], [sflag:$0x1], $0x80, v4, vm0, $0xb8;
	[tilespmem:$0x10080] =	vst v63  }
0x20: {  	s0 =	simm.s32 $0x880  }
0x21: {  	[hbm4b:s6+s3] =	stream.indirect_vreg.scatter [tilespmem:s0], [sflag:$0x1], $0x80, v4, vm0, $0xb8;
	[tilespmem:$0x10080] =	vst v63  }
0x22: {  	s25 =	simm.s32 $0x1080  }
0x23: {  	[hbm4b:s2+s3] =	stream.indirect_vreg.scatter [tilespmem:s25], [sflag:$0x1], $0x80, v3, vm0, $0xb8;
	[tilespmem:$0x10080] =	vst v63  }
0x24: {  	s26 =	simm.s32 $0x1880  }
0x25: {  	[hbm4b:s6+s3] =	stream.indirect_vreg.scatter [tilespmem:s26], [sflag:$0x1], $0x80, v3, vm0, $0xb8;
	[tilespmem:$0x10080] =	vst v63  }
0x26: {  	v3 =	vld [tilespmem:$0x10];
	_ =	sdelay $0x4  }
0x27: {  	v33 =	vshll.u32 v3, $0x2  }
0x28: {  	v3 =	vand.u32 $0x7, v3;
	v4 =	vand.u32 $0xFFFFFFE0, v33  }
0x29: {  	v3 =	vor.u32 v3, v4  }
0x2a: {  	v4 =	vperm.xlane v3, v0;
	_ =	sdelay $0x1  }
0x2b: {  	v4 =	vadd.s32 v1, v4;
	_ =	sdelay $0x1  }
0x2c: {  	v3 =	vperm.xlane v3, v2;
	_ =	sdelay $0x1  }
0x2d: {  	s28 =	simm.s32 $0x2080;
	v3 =	vadd.s32 v1, v3  }
0x2e: {  	[hbm4b:s2+s3] =	stream.indirect_vreg.scatter [tilespmem:s28], [sflag:$0x1], $0x80, v4, vm0, $0xb8;
	[tilespmem:$0x10080] =	vst v63  }
0x2f: {  	s29 =	simm.s32 $0x2880  }
0x30: {  	[hbm4b:s6+s3] =	stream.indirect_vreg.scatter [tilespmem:s29], [sflag:$0x1], $0x80, v4, vm0, $0xb8;
	[tilespmem:$0x10080] =	vst v63  }
0x31: {  	s30 =	simm.s32 $0x3080  }
0x32: {  	[hbm4b:s2+s3] =	stream.indirect_vreg.scatter [tilespmem:s30], [sflag:$0x1], $0x80, v3, vm0, $0xb8;
	[tilespmem:$0x10080] =	vst v63  }
0x33: {  	s31 =	simm.s32 $0x3880  }
0x34: {  	[hbm4b:s6+s3] =	stream.indirect_vreg.scatter [tilespmem:s31], [sflag:$0x1], $0x80, v3, vm0, $0xb8;
	[tilespmem:$0x10080] =	vst v63  }
0x35: {  	v3 =	vld [tilespmem:$0x20];
	_ =	sdelay $0x4  }
0x36: {  	v34 =	vshll.u32 v3, $0x2  }
0x37: {  	v3 =	vand.u32 $0x7, v3;
	v4 =	vand.u32 $0xFFFFFFE0, v34  }
0x38: {  	v3 =	vor.u32 v3, v4  }
0x39: {  	v4 =	vperm.xlane v3, v0;
	_ =	sdelay $0x1  }
0x3a: {  	v4 =	vadd.s32 v1, v4;
	_ =	sdelay $0x1  }
0x3b: {  	v3 =	vperm.xlane v3, v2;
	_ =	sdelay $0x1  }
0x3c: {  	s10 =	simm.s32 $0x4080;
	v3 =	vadd.s32 v1, v3  }
0x3d: {  	[hbm4b:s2+s3] =	stream.indirect_vreg.scatter [tilespmem:s10], [sflag:$0x1], $0x80, v4, vm0, $0xb8;
	[tilespmem:$0x10080] =	vst v63  }
0x3e: {  	s11 =	simm.s32 $0x4880  }
0x3f: {  	[hbm4b:s6+s3] =	stream.indirect_vreg.scatter [tilespmem:s11], [sflag:$0x1], $0x80, v4, vm0, $0xb8;
	[tilespmem:$0x10080] =	vst v63  }
0x40: {  	s12 =	simm.s32 $0x5080  }
0x41: {  	[hbm4b:s2+s3] =	stream.indirect_vreg.scatter [tilespmem:s12], [sflag:$0x1], $0x80, v3, vm0, $0xb8;
	[tilespmem:$0x10080] =	vst v63  }
0x42: {  	s13 =	simm.s32 $0x5880  }
0x43: {  	[hbm4b:s6+s3] =	stream.indirect_vreg.scatter [tilespmem:s13], [sflag:$0x1], $0x80, v3, vm0, $0xb8;
	[tilespmem:$0x10080] =	vst v63  }
0x44: {  	v3 =	vld [tilespmem:$0x30];
	_ =	sdelay $0x4  }
0x45: {  	v35 =	vshll.u32 v3, $0x2  }
0x46: {  	v3 =	vand.u32 $0x7, v3;
	v4 =	vand.u32 $0xFFFFFFE0, v35  }
0x47: {  	v3 =	vor.u32 v3, v4  }
0x48: {  	v4 =	vperm.xlane v3, v0;
	_ =	sdelay $0x1  }
0x49: {  	v4 =	vadd.s32 v1, v4;
	_ =	sdelay $0x1  }
0x4a: {  	v3 =	vperm.xlane v3, v2;
	_ =	sdelay $0x1  }
0x4b: {  	s14 =	simm.s32 $0x6080;
	v3 =	vadd.s32 v1, v3  }
0x4c: {  	[hbm4b:s2+s3] =	stream.indirect_vreg.scatter [tilespmem:s14], [sflag:$0x1], $0x80, v4, vm0, $0xb8;
	[tilespmem:$0x10080] =	vst v63  }
0x4d: {  	s15 =	simm.s32 $0x6880  }
0x4e: {  	[hbm4b:s6+s3] =	stream.indirect_vreg.scatter [tilespmem:s15], [sflag:$0x1], $0x80, v4, vm0, $0xb8;
	[tilespmem:$0x10080] =	vst v63  }
0x4f: {  	s17 =	simm.s32 $0x7080  }
0x50: {  	[hbm4b:s2+s3] =	stream.indirect_vreg.scatter [tilespmem:s17], [sflag:$0x1], $0x80, v3, vm0, $0xb8;
	[tilespmem:$0x10080] =	vst v63  }
0x51: {  	s19 =	simm.s32 $0x7880  }
0x52: {  	[hbm4b:s6+s3] =	stream.indirect_vreg.scatter [tilespmem:s19], [sflag:$0x1], $0x80, v3, vm0, $0xb8;
	[tilespmem:$0x10080] =	vst v63  }
0x53: {  	v3 =	vld [tilespmem:$0x40];
	_ =	sdelay $0x4  }
0x54: {  	v36 =	vshll.u32 v3, $0x2  }
0x55: {  	v3 =	vand.u32 $0x7, v3;
	v4 =	vand.u32 $0xFFFFFFE0, v36  }
0x56: {  	v3 =	vor.u32 v3, v4  }
0x57: {  	v4 =	vperm.xlane v3, v0;
	_ =	sdelay $0x1  }
0x58: {  	v4 =	vadd.s32 v1, v4;
	_ =	sdelay $0x1  }
0x59: {  	v3 =	vperm.xlane v3, v2;
	_ =	sdelay $0x1  }
0x5a: {  	s20 =	simm.s32 $0x8080;
	v3 =	vadd.s32 v1, v3  }
0x5b: {  	[hbm4b:s2+s3] =	stream.indirect_vreg.scatter [tilespmem:s20], [sflag:$0x1], $0x80, v4, vm0, $0xb8;
	[tilespmem:$0x10080] =	vst v63  }
0x5c: {  	s21 =	simm.s32 $0x8880  }
0x5d: {  	[hbm4b:s6+s3] =	stream.indirect_vreg.scatter [tilespmem:s21], [sflag:$0x1], $0x80, v4, vm0, $0xb8;
	[tilespmem:$0x10080] =	vst v63  }
0x5e: {  	s22 =	simm.s32 $0x9080  }
0x5f: {  	[hbm4b:s2+s3] =	stream.indirect_vreg.scatter [tilespmem:s22], [sflag:$0x1], $0x80, v3, vm0, $0xb8;
	[tilespmem:$0x10080] =	vst v63  }
0x60: {  	s23 =	simm.s32 $0x9880  }
0x61: {  	[hbm4b:s6+s3] =	stream.indirect_vreg.scatter [tilespmem:s23], [sflag:$0x1], $0x80, v3, vm0, $0xb8;
	[tilespmem:$0x10080] =	vst v63  }
0x62: {  	v3 =	vld [tilespmem:$0x50];
	_ =	sdelay $0x4  }
0x63: {  	v37 =	vshll.u32 v3, $0x2  }
0x64: {  	v3 =	vand.u32 $0x7, v3;
	v4 =	vand.u32 $0xFFFFFFE0, v37  }
0x65: {  	v3 =	vor.u32 v3, v4  }
0x66: {  	v4 =	vperm.xlane v3, v0;
	_ =	sdelay $0x1  }
0x67: {  	v4 =	vadd.s32 v1, v4;
	_ =	sdelay $0x1  }
0x68: {  	v3 =	vperm.xlane v3, v2;
	_ =	sdelay $0x1  }
0x69: {  	s25 =	simm.s32 $0xA080;
	v3 =	vadd.s32 v1, v3  }
0x6a: {  	[hbm4b:s2+s3] =	stream.indirect_vreg.scatter [tilespmem:s25], [sflag:$0x1], $0x80, v4, vm0, $0xb8;
	[tilespmem:$0x10080] =	vst v63  }
0x6b: {  	s26 =	simm.s32 $0xA880  }
0x6c: {  	[hbm4b:s6+s3] =	stream.indirect_vreg.scatter [tilespmem:s26], [sflag:$0x1], $0x80, v4, vm0, $0xb8;
	[tilespmem:$0x10080] =	vst v63  }
0x6d: {  	s28 =	simm.s32 $0xB080  }
0x6e: {  	[hbm4b:s2+s3] =	stream.indirect_vreg.scatter [tilespmem:s28], [sflag:$0x1], $0x80, v3, vm0, $0xb8;
	[tilespmem:$0x10080] =	vst v63  }
0x6f: {  	s29 =	simm.s32 $0xB880  }
0x70: {  	[hbm4b:s6+s3] =	stream.indirect_vreg.scatter [tilespmem:s29], [sflag:$0x1], $0x80, v3, vm0, $0xb8;
	[tilespmem:$0x10080] =	vst v63  }
0x71: {  	v3 =	vld [tilespmem:$0x60];
	_ =	sdelay $0x4  }
0x72: {  	v38 =	vshll.u32 v3, $0x2  }
0x73: {  	v3 =	vand.u32 $0x7, v3;
	v4 =	vand.u32 $0xFFFFFFE0, v38  }
0x74: {  	v3 =	vor.u32 v3, v4  }
0x75: {  	v4 =	vperm.xlane v3, v0;
	_ =	sdelay $0x1  }
0x76: {  	v4 =	vadd.s32 v1, v4;
	_ =	sdelay $0x1  }
0x77: {  	v3 =	vperm.xlane v3, v2;
	_ =	sdelay $0x1  }
0x78: {  	s30 =	simm.s32 $0xC080;
	v3 =	vadd.s32 v1, v3  }
0x79: {  	[hbm4b:s2+s3] =	stream.indirect_vreg.scatter [tilespmem:s30], [sflag:$0x1], $0x80, v4, vm0, $0xb8;
	[tilespmem:$0x10080] =	vst v63  }
0x7a: {  	s31 =	simm.s32 $0xC880  }
0x7b: {  	[hbm4b:s6+s3] =	stream.indirect_vreg.scatter [tilespmem:s31], [sflag:$0x1], $0x80, v4, vm0, $0xb8;
	[tilespmem:$0x10080] =	vst v63  }
0x7c: {  	s0 =	simm.s32 $0xD080  }
0x7d: {  	[hbm4b:s2+s3] =	stream.indirect_vreg.scatter [tilespmem:s0], [sflag:$0x1], $0x80, v3, vm0, $0xb8;
	[tilespmem:$0x10080] =	vst v63  }
0x7e: {  	s12 =	simm.s32 $0xD880  }
0x7f: {  	[hbm4b:s6+s3] =	stream.indirect_vreg.scatter [tilespmem:s12], [sflag:$0x1], $0x80, v3, vm0, $0xb8;
	[tilespmem:$0x10080] =	vst v63  }
0x80: {  	v3 =	vld [tilespmem:$0x70];
	_ =	sdelay $0x4  }
0x81: {  	v39 =	vshll.u32 v3, $0x2  }
0x82: {  	v3 =	vand.u32 $0x7, v3;
	v4 =	vand.u32 $0xFFFFFFE0, v39  }
0x83: {  	v3 =	vor.u32 v3, v4  }
0x84: {  	v4 =	vperm.xlane v3, v0;
	_ =	sdelay $0x1  }
0x85: {  	v4 =	vadd.s32 v1, v4;
	_ =	sdelay $0x1  }
0x86: {  	v3 =	vperm.xlane v3, v2;
	_ =	sdelay $0x1  }
0x87: {  	s13 =	simm.s32 $0xE080;
	v3 =	vadd.s32 v1, v3  }
0x88: {  	[hbm4b:s2+s3] =	stream.indirect_vreg.scatter [tilespmem:s13], [sflag:$0x1], $0x80, v4, vm0, $0xb8;
	[tilespmem:$0x10080] =	vst v63  }
0x89: {  	s14 =	simm.s32 $0xE880  }
0x8a: {  	[hbm4b:s6+s3] =	stream.indirect_vreg.scatter [tilespmem:s14], [sflag:$0x1], $0x80, v4, vm0, $0xb8;
	[tilespmem:$0x10080] =	vst v63  }
0x8b: {  	s15 =	simm.s32 $0xF080  }
0x8c: {  	[hbm4b:s2+s3] =	stream.indirect_vreg.scatter [tilespmem:s15], [sflag:$0x1], $0x80, v3, vm0, $0xb8;
	[tilespmem:$0x10080] =	vst v63  }
0x8d: {  	s19 =	simm.s32 $0xF880  }
0x8e: {  	[hbm4b:s6+s3] =	stream.indirect_vreg.scatter [tilespmem:s19], [sflag:$0x1], $0x80, v3, vm0, $0xb8;
	[tilespmem:$0x10080] =	vst v63  }
0x8f: {  	_ =	swait.ge [sflag:s16], $0x10000  }
0x90: {  	[sflag:s16] =	ssyncset.done $0x0  }
0x91: {  	s20 =	rddreg [dreg:$0x4];
	[sflag:s16] =	ssyncadd.s32 $0xFFFF0000  }
0x92: {  	[tilespmem:s3], [sflag:$0x2] =	stream.linear.gather [hbm4b:s20+s3], $0x80, $0x38;
	[tilespmem:$0x10080] =	vst v63  }
0x93: {  	_ =	swait.ge [sflag:s8], $0x80  }
0x94: {  	[sflag:s8] =	ssyncset.done $0x0  }
0x95: {  	s21 =	rddreg [dreg:$0x5];
	[sflag:s8] =	ssyncadd.s32 $0xFFFFFF80  }
0x96: {  	[tilespmem:s24], [sflag:$0x2] =	stream.linear.gather [hbm4b:s21+s3], $0x10000, $0x38;
	[tilespmem:$0x10080] =	vst v63  }
0x97: {  	_ =	swait.ge [sflag:s8], $0x10000  }
0x98: {  	[sflag:s8] =	ssyncset.done $0x0  }
0x99: {  	[sflag:s8] =	ssyncadd.s32 $0xFFFF0000  }
0x9a: {  	v3 =	vld [tilespmem:$0x0];
	_ =	sdelay $0x4  }
0x9b: {  	v40 =	vshll.u32 v3, $0x2  }
0x9c: {  	v3 =	vand.u32 $0x7, v3;
	v4 =	vand.u32 $0xFFFFFFE0, v40  }
0x9d: {  	v3 =	vor.u32 v3, v4  }
0x9e: {  	v4 =	vperm.xlane v3, v0;
	_ =	sdelay $0x1  }
0x9f: {  	v4 =	vadd.s32 v1, v4;
	_ =	sdelay $0x1  }
0xa0: {  	v3 =	vperm.xlane v3, v2;
	_ =	sdelay $0x1  }
0xa1: {  	v3 =	vadd.s32 v1, v3  }
0xa2: {  	[hbm4b:s2+s3] =	stream.indirect_vreg.scatter [tilespmem:s24], [sflag:$0x1], $0x80, v4, vm0, $0xb8;
	[tilespmem:$0x10080] =	vst v63  }
0xa3: {  	s1 =	simm.s32 $0x880  }
0xa4: {  	[hbm4b:s6+s3] =	stream.indirect_vreg.scatter [tilespmem:s1], [sflag:$0x1], $0x80, v4, vm0, $0xb8;
	[tilespmem:$0x10080] =	vst v63  }
0xa5: {  	s4 =	simm.s32 $0x1080  }
0xa6: {  	[hbm4b:s2+s3] =	stream.indirect_vreg.scatter [tilespmem:s4], [sflag:$0x1], $0x80, v3, vm0, $0xb8;
	[tilespmem:$0x10080] =	vst v63  }
0xa7: {  	s18 =	simm.s32 $0x1880  }
0xa8: {  	[hbm4b:s6+s3] =	stream.indirect_vreg.scatter [tilespmem:s18], [sflag:$0x1], $0x80, v3, vm0, $0xb8;
	[tilespmem:$0x10080] =	vst v63  }
0xa9: {  	v3 =	vld [tilespmem:$0x10];
	_ =	sdelay $0x4  }
0xaa: {  	v41 =	vshll.u32 v3, $0x2  }
0xab: {  	v3 =	vand.u32 $0x7, v3;
	v4 =	vand.u32 $0xFFFFFFE0, v41  }
0xac: {  	v3 =	vor.u32 v3, v4  }
0xad: {  	v4 =	vperm.xlane v3, v0;
	_ =	sdelay $0x1  }
0xae: {  	v4 =	vadd.s32 v1, v4;
	_ =	sdelay $0x1  }
0xaf: {  	v3 =	vperm.xlane v3, v2;
	_ =	sdelay $0x1  }
0xb0: {  	s5 =	simm.s32 $0x2080;
	v3 =	vadd.s32 v1, v3  }
0xb1: {  	[hbm4b:s2+s3] =	stream.indirect_vreg.scatter [tilespmem:s5], [sflag:$0x1], $0x80, v4, vm0, $0xb8;
	[tilespmem:$0x10080] =	vst v63  }
0xb2: {  	s9 =	simm.s32 $0x2880  }
0xb3: {  	[hbm4b:s6+s3] =	stream.indirect_vreg.scatter [tilespmem:s9], [sflag:$0x1], $0x80, v4, vm0, $0xb8;
	[tilespmem:$0x10080] =	vst v63  }
0xb4: {  	s18 =	simm.s32 $0x3080  }
0xb5: {  	[hbm4b:s2+s3] =	stream.indirect_vreg.scatter [tilespmem:s18], [sflag:$0x1], $0x80, v3, vm0, $0xb8;
	[tilespmem:$0x10080] =	vst v63  }
0xb6: {  	s12 =	simm.s32 $0x3880  }
0xb7: {  	[hbm4b:s6+s3] =	stream.indirect_vreg.scatter [tilespmem:s12], [sflag:$0x1], $0x80, v3, vm0, $0xb8;
	[tilespmem:$0x10080] =	vst v63  }
0xb8: {  	v3 =	vld [tilespmem:$0x20];
	_ =	sdelay $0x4  }
0xb9: {  	v42 =	vshll.u32 v3, $0x2  }
0xba: {  	v3 =	vand.u32 $0x7, v3;
	v4 =	vand.u32 $0xFFFFFFE0, v42  }
0xbb: {  	v3 =	vor.u32 v3, v4  }
0xbc: {  	v4 =	vperm.xlane v3, v0;
	_ =	sdelay $0x1  }
0xbd: {  	v4 =	vadd.s32 v1, v4;
	_ =	sdelay $0x1  }
0xbe: {  	v3 =	vperm.xlane v3, v2;
	_ =	sdelay $0x1  }
0xbf: {  	s13 =	simm.s32 $0x4080;
	v3 =	vadd.s32 v1, v3  }
0xc0: {  	[hbm4b:s2+s3] =	stream.indirect_vreg.scatter [tilespmem:s13], [sflag:$0x1], $0x80, v4, vm0, $0xb8;
	[tilespmem:$0x10080] =	vst v63  }
0xc1: {  	s14 =	simm.s32 $0x4880  }
0xc2: {  	[hbm4b:s6+s3] =	stream.indirect_vreg.scatter [tilespmem:s14], [sflag:$0x1], $0x80, v4, vm0, $0xb8;
	[tilespmem:$0x10080] =	vst v63  }
0xc3: {  	s15 =	simm.s32 $0x5080  }
0xc4: {  	[hbm4b:s2+s3] =	stream.indirect_vreg.scatter [tilespmem:s15], [sflag:$0x1], $0x80, v3, vm0, $0xb8;
	[tilespmem:$0x10080] =	vst v63  }
0xc5: {  	s19 =	simm.s32 $0x5880  }
0xc6: {  	[hbm4b:s6+s3] =	stream.indirect_vreg.scatter [tilespmem:s19], [sflag:$0x1], $0x80, v3, vm0, $0xb8;
	[tilespmem:$0x10080] =	vst v63  }
0xc7: {  	v3 =	vld [tilespmem:$0x30];
	_ =	sdelay $0x4  }
0xc8: {  	v43 =	vshll.u32 v3, $0x2  }
0xc9: {  	v3 =	vand.u32 $0x7, v3;
	v4 =	vand.u32 $0xFFFFFFE0, v43  }
0xca: {  	v3 =	vor.u32 v3, v4  }
0xcb: {  	v4 =	vperm.xlane v3, v0;
	_ =	sdelay $0x1  }
0xcc: {  	v4 =	vadd.s32 v1, v4;
	_ =	sdelay $0x1  }
0xcd: {  	v3 =	vperm.xlane v3, v2;
	_ =	sdelay $0x1  }
0xce: {  	s20 =	simm.s32 $0x6080;
	v3 =	vadd.s32 v1, v3  }
0xcf: {  	[hbm4b:s2+s3] =	stream.indirect_vreg.scatter [tilespmem:s20], [sflag:$0x1], $0x80, v4, vm0, $0xb8;
	[tilespmem:$0x10080] =	vst v63  }
0xd0: {  	s21 =	simm.s32 $0x6880  }
0xd1: {  	[hbm4b:s6+s3] =	stream.indirect_vreg.scatter [tilespmem:s21], [sflag:$0x1], $0x80, v4, vm0, $0xb8;
	[tilespmem:$0x10080] =	vst v63  }
0xd2: {  	s0 =	simm.s32 $0x7080  }
0xd3: {  	[hbm4b:s2+s3] =	stream.indirect_vreg.scatter [tilespmem:s0], [sflag:$0x1], $0x80, v3, vm0, $0xb8;
	[tilespmem:$0x10080] =	vst v63  }
0xd4: {  	s10 =	simm.s32 $0x7880  }
0xd5: {  	[hbm4b:s6+s3] =	stream.indirect_vreg.scatter [tilespmem:s10], [sflag:$0x1], $0x80, v3, vm0, $0xb8;
	[tilespmem:$0x10080] =	vst v63  }
0xd6: {  	v3 =	vld [tilespmem:$0x40];
	_ =	sdelay $0x4  }
0xd7: {  	v44 =	vshll.u32 v3, $0x2  }
0xd8: {  	v3 =	vand.u32 $0x7, v3;
	v4 =	vand.u32 $0xFFFFFFE0, v44  }
0xd9: {  	v3 =	vor.u32 v3, v4  }
0xda: {  	v4 =	vperm.xlane v3, v0;
	_ =	sdelay $0x1  }
0xdb: {  	v4 =	vadd.s32 v1, v4;
	_ =	sdelay $0x1  }
0xdc: {  	v3 =	vperm.xlane v3, v2;
	_ =	sdelay $0x1  }
0xdd: {  	s1 =	simm.s32 $0x8080;
	v3 =	vadd.s32 v1, v3  }
0xde: {  	[hbm4b:s2+s3] =	stream.indirect_vreg.scatter [tilespmem:s1], [sflag:$0x1], $0x80, v4, vm0, $0xb8;
	[tilespmem:$0x10080] =	vst v63  }
0xdf: {  	s4 =	simm.s32 $0x8880  }
0xe0: {  	[hbm4b:s6+s3] =	stream.indirect_vreg.scatter [tilespmem:s4], [sflag:$0x1], $0x80, v4, vm0, $0xb8;
	[tilespmem:$0x10080] =	vst v63  }
0xe1: {  	s5 =	simm.s32 $0x9080  }
0xe2: {  	[hbm4b:s2+s3] =	stream.indirect_vreg.scatter [tilespmem:s5], [sflag:$0x1], $0x80, v3, vm0, $0xb8;
	[tilespmem:$0x10080] =	vst v63  }
0xe3: {  	s11 =	simm.s32 $0x9880  }
0xe4: {  	[hbm4b:s6+s3] =	stream.indirect_vreg.scatter [tilespmem:s11], [sflag:$0x1], $0x80, v3, vm0, $0xb8;
	[tilespmem:$0x10080] =	vst v63  }
0xe5: {  	v3 =	vld [tilespmem:$0x50];
	_ =	sdelay $0x4  }
0xe6: {  	v45 =	vshll.u32 v3, $0x2  }
0xe7: {  	v3 =	vand.u32 $0x7, v3;
	v4 =	vand.u32 $0xFFFFFFE0, v45  }
0xe8: {  	v3 =	vor.u32 v3, v4  }
0xe9: {  	v4 =	vperm.xlane v3, v0;
	_ =	sdelay $0x1  }
0xea: {  	v4 =	vadd.s32 v1, v4;
	_ =	sdelay $0x1  }
0xeb: {  	v3 =	vperm.xlane v3, v2;
	_ =	sdelay $0x1  }
0xec: {  	s9 =	simm.s32 $0xA080;
	v3 =	vadd.s32 v1, v3  }
0xed: {  	[hbm4b:s2+s3] =	stream.indirect_vreg.scatter [tilespmem:s9], [sflag:$0x1], $0x80, v4, vm0, $0xb8;
	[tilespmem:$0x10080] =	vst v63  }
0xee: {  	s10 =	simm.s32 $0xA880  }
0xef: {  	[hbm4b:s6+s3] =	stream.indirect_vreg.scatter [tilespmem:s10], [sflag:$0x1], $0x80, v4, vm0, $0xb8;
	[tilespmem:$0x10080] =	vst v63  }
0xf0: {  	s11 =	simm.s32 $0xB080  }
0xf1: {  	[hbm4b:s2+s3] =	stream.indirect_vreg.scatter [tilespmem:s11], [sflag:$0x1], $0x80, v3, vm0, $0xb8;
	[tilespmem:$0x10080] =	vst v63  }
0xf2: {  	s23 =	simm.s32 $0xB880  }
0xf3: {  	[hbm4b:s6+s3] =	stream.indirect_vreg.scatter [tilespmem:s23], [sflag:$0x1], $0x80, v3, vm0, $0xb8;
	[tilespmem:$0x10080] =	vst v63  }
0xf4: {  	v3 =	vld [tilespmem:$0x60];
	_ =	sdelay $0x4  }
0xf5: {  	v46 =	vshll.u32 v3, $0x2  }
0xf6: {  	v3 =	vand.u32 $0x7, v3;
	v4 =	vand.u32 $0xFFFFFFE0, v46  }
0xf7: {  	v3 =	vor.u32 v3, v4  }
0xf8: {  	v4 =	vperm.xlane v3, v0;
	_ =	sdelay $0x1  }
0xf9: {  	v4 =	vadd.s32 v1, v4;
	_ =	sdelay $0x1  }
0xfa: {  	v3 =	vperm.xlane v3, v2;
	_ =	sdelay $0x1  }
0xfb: {  	s29 =	simm.s32 $0xC080;
	v3 =	vadd.s32 v1, v3  }
0xfc: {  	[hbm4b:s2+s3] =	stream.indirect_vreg.scatter [tilespmem:s29], [sflag:$0x1], $0x80, v4, vm0, $0xb8;
	[tilespmem:$0x10080] =	vst v63  }
0xfd: {  	s30 =	simm.s32 $0xC880  }
0xfe: {  	[hbm4b:s6+s3] =	stream.indirect_vreg.scatter [tilespmem:s30], [sflag:$0x1], $0x80, v4, vm0, $0xb8;
	[tilespmem:$0x10080] =	vst v63  }
0xff: {  	s28 =	simm.s32 $0xD080  }
0x100: {  	[hbm4b:s2+s3] =	stream.indirect_vreg.scatter [tilespmem:s28], [sflag:$0x1], $0x80, v3, vm0, $0xb8;
	[tilespmem:$0x10080] =	vst v63  }
0x101: {  	s25 =	simm.s32 $0xD880  }
0x102: {  	[hbm4b:s6+s3] =	stream.indirect_vreg.scatter [tilespmem:s25], [sflag:$0x1], $0x80, v3, vm0, $0xb8;
	[tilespmem:$0x10080] =	vst v63  }
0x103: {  	v3 =	vld [tilespmem:$0x70];
	_ =	sdelay $0x4  }
0x104: {  	v47 =	vshll.u32 v3, $0x2  }
0x105: {  	v3 =	vand.u32 $0x7, v3;
	v4 =	vand.u32 $0xFFFFFFE0, v47  }
0x106: {  	v3 =	vor.u32 v3, v4  }
0x107: {  	v4 =	vperm.xlane v3, v0;
	_ =	sdelay $0x1  }
0x108: {  	v4 =	vadd.s32 v1, v4;
	_ =	sdelay $0x1  }
0x109: {  	v3 =	vperm.xlane v3, v2;
	_ =	sdelay $0x1  }
0x10a: {  	s25 =	simm.s32 $0xE080;
	v3 =	vadd.s32 v1, v3  }
0x10b: {  	[hbm4b:s2+s3] =	stream.indirect_vreg.scatter [tilespmem:s25], [sflag:$0x1], $0x80, v4, vm0, $0xb8;
	[tilespmem:$0x10080] =	vst v63  }
0x10c: {  	s28 =	simm.s32 $0xE880  }
0x10d: {  	[hbm4b:s6+s3] =	stream.indirect_vreg.scatter [tilespmem:s28], [sflag:$0x1], $0x80, v4, vm0, $0xb8;
	[tilespmem:$0x10080] =	vst v63  }
0x10e: {  	s29 =	simm.s32 $0xF080  }
0x10f: {  	[hbm4b:s2+s3] =	stream.indirect_vreg.scatter [tilespmem:s29], [sflag:$0x1], $0x80, v3, vm0, $0xb8;
	[tilespmem:$0x10080] =	vst v63  }
0x110: {  	s22 =	simm.s32 $0xF880  }
0x111: {  	[hbm4b:s6+s3] =	stream.indirect_vreg.scatter [tilespmem:s22], [sflag:$0x1], $0x80, v3, vm0, $0xb8;
	[tilespmem:$0x10080] =	vst v63  }
0x112: {  	_ =	swait.ge [sflag:s16], $0x10000  }
0x113: {  	[sflag:s16] =	ssyncset.done $0x0  }
0x114: {  	s22 =	rddreg [dreg:$0x6];
	[sflag:s16] =	ssyncadd.s32 $0xFFFF0000  }
0x115: {  	[tilespmem:s3], [sflag:$0x2] =	stream.linear.gather [hbm4b:s22+s3], $0x80, $0x38;
	[tilespmem:$0x10080] =	vst v63  }
0x116: {  	_ =	swait.ge [sflag:s8], $0x80  }
0x117: {  	[sflag:s8] =	ssyncset.done $0x0  }
0x118: {  	s25 =	rddreg [dreg:$0x7];
	[sflag:s8] =	ssyncadd.s32 $0xFFFFFF80  }
0x119: {  	[tilespmem:s24], [sflag:$0x2] =	stream.linear.gather [hbm4b:s25+s3], $0x10000, $0x38;
	[tilespmem:$0x10080] =	vst v63  }
0x11a: {  	_ =	swait.ge [sflag:s8], $0x10000  }
0x11b: {  	[sflag:s8] =	ssyncset.done $0x0  }
0x11c: {  	[sflag:s8] =	ssyncadd.s32 $0xFFFF0000  }
0x11d: {  	v3 =	vld [tilespmem:$0x0];
	_ =	sdelay $0x4  }
0x11e: {  	v48 =	vshll.u32 v3, $0x2  }
0x11f: {  	v3 =	vand.u32 $0x7, v3;
	v4 =	vand.u32 $0xFFFFFFE0, v48  }
0x120: {  	v3 =	vor.u32 v3, v4  }
0x121: {  	v4 =	vperm.xlane v3, v0;
	_ =	sdelay $0x1  }
0x122: {  	v4 =	vadd.s32 v1, v4;
	_ =	sdelay $0x1  }
0x123: {  	v3 =	vperm.xlane v3, v2;
	_ =	sdelay $0x1  }
0x124: {  	v3 =	vadd.s32 v1, v3  }
0x125: {  	[hbm4b:s2+s3] =	stream.indirect_vreg.scatter [tilespmem:s24], [sflag:$0x1], $0x80, v4, vm0, $0xb8;
	[tilespmem:$0x10080] =	vst v63  }
0x126: {  	s26 =	simm.s32 $0x880  }
0x127: {  	[hbm4b:s6+s3] =	stream.indirect_vreg.scatter [tilespmem:s26], [sflag:$0x1], $0x80, v4, vm0, $0xb8;
	[tilespmem:$0x10080] =	vst v63  }
0x128: {  	s22 =	simm.s32 $0x1080  }
0x129: {  	[hbm4b:s2+s3] =	stream.indirect_vreg.scatter [tilespmem:s22], [sflag:$0x1], $0x80, v3, vm0, $0xb8;
	[tilespmem:$0x10080] =	vst v63  }
0x12a: {  	s26 =	simm.s32 $0x1880  }
0x12b: {  	[hbm4b:s6+s3] =	stream.indirect_vreg.scatter [tilespmem:s26], [sflag:$0x1], $0x80, v3, vm0, $0xb8;
	[tilespmem:$0x10080] =	vst v63  }
0x12c: {  	v3 =	vld [tilespmem:$0x10];
	_ =	sdelay $0x4  }
0x12d: {  	v49 =	vshll.u32 v3, $0x2  }
0x12e: {  	v3 =	vand.u32 $0x7, v3;
	v4 =	vand.u32 $0xFFFFFFE0, v49  }
0x12f: {  	v3 =	vor.u32 v3, v4  }
0x130: {  	v4 =	vperm.xlane v3, v0;
	_ =	sdelay $0x1  }
0x131: {  	v4 =	vadd.s32 v1, v4;
	_ =	sdelay $0x1  }
0x132: {  	v3 =	vperm.xlane v3, v2;
	_ =	sdelay $0x1  }
0x133: {  	s22 =	simm.s32 $0x2080;
	v3 =	vadd.s32 v1, v3  }
0x134: {  	[hbm4b:s2+s3] =	stream.indirect_vreg.scatter [tilespmem:s22], [sflag:$0x1], $0x80, v4, vm0, $0xb8;
	[tilespmem:$0x10080] =	vst v63  }
0x135: {  	s26 =	simm.s32 $0x2880  }
0x136: {  	[hbm4b:s6+s3] =	stream.indirect_vreg.scatter [tilespmem:s26], [sflag:$0x1], $0x80, v4, vm0, $0xb8;
	[tilespmem:$0x10080] =	vst v63  }
0x137: {  	_ = 	snop  }
0x138: {  	[hbm4b:s2+s3] =	stream.indirect_vreg.scatter [tilespmem:s18], [sflag:$0x1], $0x80, v3, vm0, $0xb8;
	[tilespmem:$0x10080] =	vst v63  }
0x139: {  	_ = 	snop  }
0x13a: {  	[hbm4b:s6+s3] =	stream.indirect_vreg.scatter [tilespmem:s12], [sflag:$0x1], $0x80, v3, vm0, $0xb8;
	[tilespmem:$0x10080] =	vst v63  }
0x13b: {  	v3 =	vld [tilespmem:$0x20];
	_ =	sdelay $0x4  }
0x13c: {  	v50 =	vshll.u32 v3, $0x2  }
0x13d: {  	v3 =	vand.u32 $0x7, v3;
	v4 =	vand.u32 $0xFFFFFFE0, v50  }
0x13e: {  	v3 =	vor.u32 v3, v4  }
0x13f: {  	v4 =	vperm.xlane v3, v0;
	_ =	sdelay $0x1  }
0x140: {  	v4 =	vadd.s32 v1, v4;
	_ =	sdelay $0x1  }
0x141: {  	v3 =	vperm.xlane v3, v2;
	_ =	sdelay $0x1  }
0x142: {  	v3 =	vadd.s32 v1, v3  }
0x143: {  	[hbm4b:s2+s3] =	stream.indirect_vreg.scatter [tilespmem:s13], [sflag:$0x1], $0x80, v4, vm0, $0xb8;
	[tilespmem:$0x10080] =	vst v63  }
0x144: {  	_ = 	snop  }
0x145: {  	[hbm4b:s6+s3] =	stream.indirect_vreg.scatter [tilespmem:s14], [sflag:$0x1], $0x80, v4, vm0, $0xb8;
	[tilespmem:$0x10080] =	vst v63  }
0x146: {  	_ = 	snop  }
0x147: {  	[hbm4b:s2+s3] =	stream.indirect_vreg.scatter [tilespmem:s15], [sflag:$0x1], $0x80, v3, vm0, $0xb8;
	[tilespmem:$0x10080] =	vst v63  }
0x148: {  	_ = 	snop  }
0x149: {  	[hbm4b:s6+s3] =	stream.indirect_vreg.scatter [tilespmem:s19], [sflag:$0x1], $0x80, v3, vm0, $0xb8;
	[tilespmem:$0x10080] =	vst v63  }
0x14a: {  	v3 =	vld [tilespmem:$0x30];
	_ =	sdelay $0x4  }
0x14b: {  	v51 =	vshll.u32 v3, $0x2  }
0x14c: {  	v3 =	vand.u32 $0x7, v3;
	v4 =	vand.u32 $0xFFFFFFE0, v51  }
0x14d: {  	v3 =	vor.u32 v3, v4  }
0x14e: {  	v4 =	vperm.xlane v3, v0;
	_ =	sdelay $0x1  }
0x14f: {  	v4 =	vadd.s32 v1, v4;
	_ =	sdelay $0x1  }
0x150: {  	v3 =	vperm.xlane v3, v2;
	_ =	sdelay $0x1  }
0x151: {  	v3 =	vadd.s32 v1, v3  }
0x152: {  	[hbm4b:s2+s3] =	stream.indirect_vreg.scatter [tilespmem:s20], [sflag:$0x1], $0x80, v4, vm0, $0xb8;
	[tilespmem:$0x10080] =	vst v63  }
0x153: {  	_ = 	snop  }
0x154: {  	[hbm4b:s6+s3] =	stream.indirect_vreg.scatter [tilespmem:s21], [sflag:$0x1], $0x80, v4, vm0, $0xb8;
	[tilespmem:$0x10080] =	vst v63  }
0x155: {  	_ = 	snop  }
0x156: {  	[hbm4b:s2+s3] =	stream.indirect_vreg.scatter [tilespmem:s0], [sflag:$0x1], $0x80, v3, vm0, $0xb8;
	[tilespmem:$0x10080] =	vst v63  }
0x157: {  	s22 =	simm.s32 $0x7880  }
0x158: {  	[hbm4b:s6+s3] =	stream.indirect_vreg.scatter [tilespmem:s22], [sflag:$0x1], $0x80, v3, vm0, $0xb8;
	[tilespmem:$0x10080] =	vst v63  }
0x159: {  	v3 =	vld [tilespmem:$0x40];
	_ =	sdelay $0x4  }
0x15a: {  	v52 =	vshll.u32 v3, $0x2  }
0x15b: {  	v3 =	vand.u32 $0x7, v3;
	v4 =	vand.u32 $0xFFFFFFE0, v52  }
0x15c: {  	v3 =	vor.u32 v3, v4  }
0x15d: {  	v4 =	vperm.xlane v3, v0;
	_ =	sdelay $0x1  }
0x15e: {  	v4 =	vadd.s32 v1, v4;
	_ =	sdelay $0x1  }
0x15f: {  	v3 =	vperm.xlane v3, v2;
	_ =	sdelay $0x1  }
0x160: {  	v3 =	vadd.s32 v1, v3  }
0x161: {  	[hbm4b:s2+s3] =	stream.indirect_vreg.scatter [tilespmem:s1], [sflag:$0x1], $0x80, v4, vm0, $0xb8;
	[tilespmem:$0x10080] =	vst v63  }
0x162: {  	_ = 	snop  }
0x163: {  	[hbm4b:s6+s3] =	stream.indirect_vreg.scatter [tilespmem:s4], [sflag:$0x1], $0x80, v4, vm0, $0xb8;
	[tilespmem:$0x10080] =	vst v63  }
0x164: {  	_ = 	snop  }
0x165: {  	[hbm4b:s2+s3] =	stream.indirect_vreg.scatter [tilespmem:s5], [sflag:$0x1], $0x80, v3, vm0, $0xb8;
	[tilespmem:$0x10080] =	vst v63  }
0x166: {  	s26 =	simm.s32 $0x9880  }
0x167: {  	[hbm4b:s6+s3] =	stream.indirect_vreg.scatter [tilespmem:s26], [sflag:$0x1], $0x80, v3, vm0, $0xb8;
	[tilespmem:$0x10080] =	vst v63  }
0x168: {  	v3 =	vld [tilespmem:$0x50];
	_ =	sdelay $0x4  }
0x169: {  	v53 =	vshll.u32 v3, $0x2  }
0x16a: {  	v3 =	vand.u32 $0x7, v3;
	v4 =	vand.u32 $0xFFFFFFE0, v53  }
0x16b: {  	v3 =	vor.u32 v3, v4  }
0x16c: {  	v4 =	vperm.xlane v3, v0;
	_ =	sdelay $0x1  }
0x16d: {  	v4 =	vadd.s32 v1, v4;
	_ =	sdelay $0x1  }
0x16e: {  	v3 =	vperm.xlane v3, v2;
	_ =	sdelay $0x1  }
0x16f: {  	v3 =	vadd.s32 v1, v3  }
0x170: {  	[hbm4b:s2+s3] =	stream.indirect_vreg.scatter [tilespmem:s9], [sflag:$0x1], $0x80, v4, vm0, $0xb8;
	[tilespmem:$0x10080] =	vst v63  }
0x171: {  	_ = 	snop  }
0x172: {  	[hbm4b:s6+s3] =	stream.indirect_vreg.scatter [tilespmem:s10], [sflag:$0x1], $0x80, v4, vm0, $0xb8;
	[tilespmem:$0x10080] =	vst v63  }
0x173: {  	_ = 	snop  }
0x174: {  	[hbm4b:s2+s3] =	stream.indirect_vreg.scatter [tilespmem:s11], [sflag:$0x1], $0x80, v3, vm0, $0xb8;
	[tilespmem:$0x10080] =	vst v63  }
0x175: {  	s22 =	simm.s32 $0xB880  }
0x176: {  	[hbm4b:s6+s3] =	stream.indirect_vreg.scatter [tilespmem:s22], [sflag:$0x1], $0x80, v3, vm0, $0xb8;
	[tilespmem:$0x10080] =	vst v63  }
0x177: {  	v3 =	vld [tilespmem:$0x60];
	_ =	sdelay $0x4  }
0x178: {  	v54 =	vshll.u32 v3, $0x2  }
0x179: {  	v3 =	vand.u32 $0x7, v3;
	v4 =	vand.u32 $0xFFFFFFE0, v54  }
0x17a: {  	v3 =	vor.u32 v3, v4  }
0x17b: {  	v4 =	vperm.xlane v3, v0;
	_ =	sdelay $0x1  }
0x17c: {  	v4 =	vadd.s32 v1, v4;
	_ =	sdelay $0x1  }
0x17d: {  	v3 =	vperm.xlane v3, v2;
	_ =	sdelay $0x1  }
0x17e: {  	s23 =	simm.s32 $0xC080;
	v3 =	vadd.s32 v1, v3  }
0x17f: {  	[hbm4b:s2+s3] =	stream.indirect_vreg.scatter [tilespmem:s23], [sflag:$0x1], $0x80, v4, vm0, $0xb8;
	[tilespmem:$0x10080] =	vst v63  }
0x180: {  	s31 =	simm.s32 $0xC880  }
0x181: {  	[hbm4b:s6+s3] =	stream.indirect_vreg.scatter [tilespmem:s31], [sflag:$0x1], $0x80, v4, vm0, $0xb8;
	[tilespmem:$0x10080] =	vst v63  }
0x182: {  	s23 =	simm.s32 $0xD080  }
0x183: {  	[hbm4b:s2+s3] =	stream.indirect_vreg.scatter [tilespmem:s23], [sflag:$0x1], $0x80, v3, vm0, $0xb8;
	[tilespmem:$0x10080] =	vst v63  }
0x184: {  	s26 =	simm.s32 $0xD880  }
0x185: {  	[hbm4b:s6+s3] =	stream.indirect_vreg.scatter [tilespmem:s26], [sflag:$0x1], $0x80, v3, vm0, $0xb8;
	[tilespmem:$0x10080] =	vst v63  }
0x186: {  	v3 =	vld [tilespmem:$0x70];
	_ =	sdelay $0x4  }
0x187: {  	v55 =	vshll.u32 v3, $0x2  }
0x188: {  	v3 =	vand.u32 $0x7, v3;
	v4 =	vand.u32 $0xFFFFFFE0, v55  }
0x189: {  	v3 =	vor.u32 v3, v4  }
0x18a: {  	v4 =	vperm.xlane v3, v0;
	_ =	sdelay $0x1  }
0x18b: {  	v4 =	vadd.s32 v1, v4;
	_ =	sdelay $0x1  }
0x18c: {  	v3 =	vperm.xlane v3, v2;
	_ =	sdelay $0x1  }
0x18d: {  	s30 =	simm.s32 $0xE080;
	v3 =	vadd.s32 v1, v3  }
0x18e: {  	[hbm4b:s2+s3] =	stream.indirect_vreg.scatter [tilespmem:s30], [sflag:$0x1], $0x80, v4, vm0, $0xb8;
	[tilespmem:$0x10080] =	vst v63  }
0x18f: {  	s28 =	simm.s32 $0xE880  }
0x190: {  	[hbm4b:s6+s3] =	stream.indirect_vreg.scatter [tilespmem:s28], [sflag:$0x1], $0x80, v4, vm0, $0xb8;
	[tilespmem:$0x10080] =	vst v63  }
0x191: {  	s29 =	simm.s32 $0xF080  }
0x192: {  	[hbm4b:s2+s3] =	stream.indirect_vreg.scatter [tilespmem:s29], [sflag:$0x1], $0x80, v3, vm0, $0xb8;
	[tilespmem:$0x10080] =	vst v63  }
0x193: {  	s28 =	simm.s32 $0xF880  }
0x194: {  	[hbm4b:s6+s3] =	stream.indirect_vreg.scatter [tilespmem:s28], [sflag:$0x1], $0x80, v3, vm0, $0xb8;
	[tilespmem:$0x10080] =	vst v63  }
0x195: {  	_ =	swait.ge [sflag:s16], $0x10000  }
0x196: {  	[sflag:s16] =	ssyncset.done $0x0  }
0x197: {  	s29 =	rddreg [dreg:$0x8];
	[sflag:s16] =	ssyncadd.s32 $0xFFFF0000  }
0x198: {  	[tilespmem:s3], [sflag:$0x2] =	stream.linear.gather [hbm4b:s29+s3], $0x80, $0x38;
	[tilespmem:$0x10080] =	vst v63  }
0x199: {  	_ =	swait.ge [sflag:s8], $0x80  }
0x19a: {  	[sflag:s8] =	ssyncset.done $0x0  }
0x19b: {  	s29 =	rddreg [dreg:$0x9];
	[sflag:s8] =	ssyncadd.s32 $0xFFFFFF80  }
0x19c: {  	[tilespmem:s24], [sflag:$0x2] =	stream.linear.gather [hbm4b:s29+s3], $0x10000, $0x38;
	[tilespmem:$0x10080] =	vst v63  }
0x19d: {  	_ =	swait.ge [sflag:s8], $0x10000  }
0x19e: {  	[sflag:s8] =	ssyncset.done $0x0  }
0x19f: {  	[sflag:s8] =	ssyncadd.s32 $0xFFFF0000  }
0x1a0: {  	v3 =	vld [tilespmem:$0x0];
	_ =	sdelay $0x4  }
0x1a1: {  	v56 =	vshll.u32 v3, $0x2  }
0x1a2: {  	v3 =	vand.u32 $0x7, v3;
	v4 =	vand.u32 $0xFFFFFFE0, v56  }
0x1a3: {  	v3 =	vor.u32 v3, v4  }
0x1a4: {  	v4 =	vperm.xlane v3, v0;
	_ =	sdelay $0x1  }
0x1a5: {  	v4 =	vadd.s32 v1, v4;
	_ =	sdelay $0x1  }
0x1a6: {  	v3 =	vperm.xlane v3, v2;
	_ =	sdelay $0x1  }
0x1a7: {  	v3 =	vadd.s32 v1, v3  }
0x1a8: {  	[hbm4b:s2+s3] =	stream.indirect_vreg.scatter [tilespmem:s24], [sflag:$0x1], $0x80, v4, vm0, $0xb8;
	[tilespmem:$0x10080] =	vst v63  }
0x1a9: {  	s25 =	simm.s32 $0x880  }
0x1aa: {  	[hbm4b:s6+s3] =	stream.indirect_vreg.scatter [tilespmem:s25], [sflag:$0x1], $0x80, v4, vm0, $0xb8;
	[tilespmem:$0x10080] =	vst v63  }
0x1ab: {  	s25 =	simm.s32 $0x1080  }
0x1ac: {  	[hbm4b:s2+s3] =	stream.indirect_vreg.scatter [tilespmem:s25], [sflag:$0x1], $0x80, v3, vm0, $0xb8;
	[tilespmem:$0x10080] =	vst v63  }
0x1ad: {  	s29 =	simm.s32 $0x1880  }
0x1ae: {  	[hbm4b:s6+s3] =	stream.indirect_vreg.scatter [tilespmem:s29], [sflag:$0x1], $0x80, v3, vm0, $0xb8;
	[tilespmem:$0x10080] =	vst v63  }
0x1af: {  	v3 =	vld [tilespmem:$0x10];
	_ =	sdelay $0x4  }
0x1b0: {  	v57 =	vshll.u32 v3, $0x2  }
0x1b1: {  	v3 =	vand.u32 $0x7, v3;
	v4 =	vand.u32 $0xFFFFFFE0, v57  }
0x1b2: {  	v3 =	vor.u32 v3, v4  }
0x1b3: {  	v4 =	vperm.xlane v3, v0;
	_ =	sdelay $0x1  }
0x1b4: {  	v4 =	vadd.s32 v1, v4;
	_ =	sdelay $0x1  }
0x1b5: {  	v3 =	vperm.xlane v3, v2;
	_ =	sdelay $0x1  }
0x1b6: {  	s25 =	simm.s32 $0x2080;
	v3 =	vadd.s32 v1, v3  }
0x1b7: {  	[hbm4b:s2+s3] =	stream.indirect_vreg.scatter [tilespmem:s25], [sflag:$0x1], $0x80, v4, vm0, $0xb8;
	[tilespmem:$0x10080] =	vst v63  }
0x1b8: {  	s29 =	simm.s32 $0x2880  }
0x1b9: {  	[hbm4b:s6+s3] =	stream.indirect_vreg.scatter [tilespmem:s29], [sflag:$0x1], $0x80, v4, vm0, $0xb8;
	[tilespmem:$0x10080] =	vst v63  }
0x1ba: {  	s18 =	simm.s32 $0x3080  }
0x1bb: {  	[hbm4b:s2+s3] =	stream.indirect_vreg.scatter [tilespmem:s18], [sflag:$0x1], $0x80, v3, vm0, $0xb8;
	[tilespmem:$0x10080] =	vst v63  }
0x1bc: {  	s12 =	simm.s32 $0x3880  }
0x1bd: {  	[hbm4b:s6+s3] =	stream.indirect_vreg.scatter [tilespmem:s12], [sflag:$0x1], $0x80, v3, vm0, $0xb8;
	[tilespmem:$0x10080] =	vst v63  }
0x1be: {  	v3 =	vld [tilespmem:$0x20];
	_ =	sdelay $0x4  }
0x1bf: {  	v58 =	vshll.u32 v3, $0x2  }
0x1c0: {  	v3 =	vand.u32 $0x7, v3;
	v4 =	vand.u32 $0xFFFFFFE0, v58  }
0x1c1: {  	v3 =	vor.u32 v3, v4  }
0x1c2: {  	v4 =	vperm.xlane v3, v0;
	_ =	sdelay $0x1  }
0x1c3: {  	v4 =	vadd.s32 v1, v4;
	_ =	sdelay $0x1  }
0x1c4: {  	v3 =	vperm.xlane v3, v2;
	_ =	sdelay $0x1  }
0x1c5: {  	s13 =	simm.s32 $0x4080;
	v3 =	vadd.s32 v1, v3  }
0x1c6: {  	[hbm4b:s2+s3] =	stream.indirect_vreg.scatter [tilespmem:s13], [sflag:$0x1], $0x80, v4, vm0, $0xb8;
	[tilespmem:$0x10080] =	vst v63  }
0x1c7: {  	s14 =	simm.s32 $0x4880  }
0x1c8: {  	[hbm4b:s6+s3] =	stream.indirect_vreg.scatter [tilespmem:s14], [sflag:$0x1], $0x80, v4, vm0, $0xb8;
	[tilespmem:$0x10080] =	vst v63  }
0x1c9: {  	s15 =	simm.s32 $0x5080  }
0x1ca: {  	[hbm4b:s2+s3] =	stream.indirect_vreg.scatter [tilespmem:s15], [sflag:$0x1], $0x80, v3, vm0, $0xb8;
	[tilespmem:$0x10080] =	vst v63  }
0x1cb: {  	s19 =	simm.s32 $0x5880  }
0x1cc: {  	[hbm4b:s6+s3] =	stream.indirect_vreg.scatter [tilespmem:s19], [sflag:$0x1], $0x80, v3, vm0, $0xb8;
	[tilespmem:$0x10080] =	vst v63  }
0x1cd: {  	v3 =	vld [tilespmem:$0x30];
	_ =	sdelay $0x4  }
0x1ce: {  	v59 =	vshll.u32 v3, $0x2  }
0x1cf: {  	v3 =	vand.u32 $0x7, v3;
	v4 =	vand.u32 $0xFFFFFFE0, v59  }
0x1d0: {  	v3 =	vor.u32 v3, v4  }
0x1d1: {  	v4 =	vperm.xlane v3, v0;
	_ =	sdelay $0x1  }
0x1d2: {  	v4 =	vadd.s32 v1, v4;
	_ =	sdelay $0x1  }
0x1d3: {  	v3 =	vperm.xlane v3, v2;
	_ =	sdelay $0x1  }
0x1d4: {  	s20 =	simm.s32 $0x6080;
	v3 =	vadd.s32 v1, v3  }
0x1d5: {  	[hbm4b:s2+s3] =	stream.indirect_vreg.scatter [tilespmem:s20], [sflag:$0x1], $0x80, v4, vm0, $0xb8;
	[tilespmem:$0x10080] =	vst v63  }
0x1d6: {  	s21 =	simm.s32 $0x6880  }
0x1d7: {  	[hbm4b:s6+s3] =	stream.indirect_vreg.scatter [tilespmem:s21], [sflag:$0x1], $0x80, v4, vm0, $0xb8;
	[tilespmem:$0x10080] =	vst v63  }
0x1d8: {  	s0 =	simm.s32 $0x7080  }
0x1d9: {  	[hbm4b:s2+s3] =	stream.indirect_vreg.scatter [tilespmem:s0], [sflag:$0x1], $0x80, v3, vm0, $0xb8;
	[tilespmem:$0x10080] =	vst v63  }
0x1da: {  	s20 =	simm.s32 $0x7880  }
0x1db: {  	[hbm4b:s6+s3] =	stream.indirect_vreg.scatter [tilespmem:s20], [sflag:$0x1], $0x80, v3, vm0, $0xb8;
	[tilespmem:$0x10080] =	vst v63  }
0x1dc: {  	v3 =	vld [tilespmem:$0x40];
	_ =	sdelay $0x4  }
0x1dd: {  	v60 =	vshll.u32 v3, $0x2  }
0x1de: {  	v3 =	vand.u32 $0x7, v3;
	v4 =	vand.u32 $0xFFFFFFE0, v60  }
0x1df: {  	v3 =	vor.u32 v3, v4  }
0x1e0: {  	v4 =	vperm.xlane v3, v0;
	_ =	sdelay $0x1  }
0x1e1: {  	v4 =	vadd.s32 v1, v4;
	_ =	sdelay $0x1  }
0x1e2: {  	v3 =	vperm.xlane v3, v2;
	_ =	sdelay $0x1  }
0x1e3: {  	s1 =	simm.s32 $0x8080;
	v3 =	vadd.s32 v1, v3  }
0x1e4: {  	[hbm4b:s2+s3] =	stream.indirect_vreg.scatter [tilespmem:s1], [sflag:$0x1], $0x80, v4, vm0, $0xb8;
	[tilespmem:$0x10080] =	vst v63  }
0x1e5: {  	s4 =	simm.s32 $0x8880  }
0x1e6: {  	[hbm4b:s6+s3] =	stream.indirect_vreg.scatter [tilespmem:s4], [sflag:$0x1], $0x80, v4, vm0, $0xb8;
	[tilespmem:$0x10080] =	vst v63  }
0x1e7: {  	s5 =	simm.s32 $0x9080  }
0x1e8: {  	[hbm4b:s2+s3] =	stream.indirect_vreg.scatter [tilespmem:s5], [sflag:$0x1], $0x80, v3, vm0, $0xb8;
	[tilespmem:$0x10080] =	vst v63  }
0x1e9: {  	s21 =	simm.s32 $0x9880  }
0x1ea: {  	[hbm4b:s6+s3] =	stream.indirect_vreg.scatter [tilespmem:s21], [sflag:$0x1], $0x80, v3, vm0, $0xb8;
	[tilespmem:$0x10080] =	vst v63  }
0x1eb: {  	v3 =	vld [tilespmem:$0x50];
	_ =	sdelay $0x4  }
0x1ec: {  	v61 =	vshll.u32 v3, $0x2  }
0x1ed: {  	v3 =	vand.u32 $0x7, v3;
	v4 =	vand.u32 $0xFFFFFFE0, v61  }
0x1ee: {  	v3 =	vor.u32 v3, v4  }
0x1ef: {  	v4 =	vperm.xlane v3, v0;
	_ =	sdelay $0x1  }
0x1f0: {  	v4 =	vadd.s32 v1, v4;
	_ =	sdelay $0x1  }
0x1f1: {  	v3 =	vperm.xlane v3, v2;
	_ =	sdelay $0x1  }
0x1f2: {  	s9 =	simm.s32 $0xA080;
	v3 =	vadd.s32 v1, v3  }
0x1f3: {  	[hbm4b:s2+s3] =	stream.indirect_vreg.scatter [tilespmem:s9], [sflag:$0x1], $0x80, v4, vm0, $0xb8;
	[tilespmem:$0x10080] =	vst v63  }
0x1f4: {  	s10 =	simm.s32 $0xA880  }
0x1f5: {  	[hbm4b:s6+s3] =	stream.indirect_vreg.scatter [tilespmem:s10], [sflag:$0x1], $0x80, v4, vm0, $0xb8;
	[tilespmem:$0x10080] =	vst v63  }
0x1f6: {  	s11 =	simm.s32 $0xB080  }
0x1f7: {  	[hbm4b:s2+s3] =	stream.indirect_vreg.scatter [tilespmem:s11], [sflag:$0x1], $0x80, v3, vm0, $0xb8;
	[tilespmem:$0x10080] =	vst v63  }
0x1f8: {  	s25 =	simm.s32 $0xB880  }
0x1f9: {  	[hbm4b:s6+s3] =	stream.indirect_vreg.scatter [tilespmem:s25], [sflag:$0x1], $0x80, v3, vm0, $0xb8;
	[tilespmem:$0x10080] =	vst v63  }
0x1fa: {  	v3 =	vld [tilespmem:$0x60];
	_ =	sdelay $0x4  }
0x1fb: {  	v62 =	vshll.u32 v3, $0x2  }
0x1fc: {  	v3 =	vand.u32 $0x7, v3;
	v4 =	vand.u32 $0xFFFFFFE0, v62  }
0x1fd: {  	v3 =	vor.u32 v3, v4  }
0x1fe: {  	v4 =	vperm.xlane v3, v0;
	_ =	sdelay $0x1  }
0x1ff: {  	v4 =	vadd.s32 v1, v4;
	_ =	sdelay $0x1  }
0x200: {  	v3 =	vperm.xlane v3, v2;
	_ =	sdelay $0x1  }
0x201: {  	s22 =	simm.s32 $0xC080;
	v3 =	vadd.s32 v1, v3  }
0x202: {  	[hbm4b:s2+s3] =	stream.indirect_vreg.scatter [tilespmem:s22], [sflag:$0x1], $0x80, v4, vm0, $0xb8;
	[tilespmem:$0x10080] =	vst v63  }
0x203: {  	s31 =	simm.s32 $0xC880  }
0x204: {  	[hbm4b:s6+s3] =	stream.indirect_vreg.scatter [tilespmem:s31], [sflag:$0x1], $0x80, v4, vm0, $0xb8;
	[tilespmem:$0x10080] =	vst v63  }
0x205: {  	s29 =	simm.s32 $0xD080  }
0x206: {  	[hbm4b:s2+s3] =	stream.indirect_vreg.scatter [tilespmem:s29], [sflag:$0x1], $0x80, v3, vm0, $0xb8;
	[tilespmem:$0x10080] =	vst v63  }
0x207: {  	s31 =	simm.s32 $0xD880  }
0x208: {  	[hbm4b:s6+s3] =	stream.indirect_vreg.scatter [tilespmem:s31], [sflag:$0x1], $0x80, v3, vm0, $0xb8;
	[tilespmem:$0x10080] =	vst v63  }
0x209: {  	v3 =	vld [tilespmem:$0x70];
	_ =	sdelay $0x4  }
0x20a: {  	v63 =	vshll.u32 v3, $0x2  }
0x20b: {  	v3 =	vand.u32 $0x7, v3;
	v4 =	vand.u32 $0xFFFFFFE0, v63  }
0x20c: {  	v3 =	vor.u32 v3, v4  }
0x20d: {  	v4 =	vperm.xlane v3, v0;
	_ =	sdelay $0x1  }
0x20e: {  	v4 =	vadd.s32 v1, v4;
	_ =	sdelay $0x1  }
0x20f: {  	v3 =	vperm.xlane v3, v2;
	_ =	sdelay $0x1  }
0x210: {  	s30 =	simm.s32 $0xE080;
	v3 =	vadd.s32 v1, v3  }
0x211: {  	[hbm4b:s2+s3] =	stream.indirect_vreg.scatter [tilespmem:s30], [sflag:$0x1], $0x80, v4, vm0, $0xb8;
	[tilespmem:$0x10080] =	vst v63  }
0x212: {  	s23 =	simm.s32 $0xE880  }
0x213: {  	[hbm4b:s6+s3] =	stream.indirect_vreg.scatter [tilespmem:s23], [sflag:$0x1], $0x80, v4, vm0, $0xb8;
	[tilespmem:$0x10080] =	vst v63  }
0x214: {  	p0 =	sne.s32 s7, $0x1;
	s26 =	simm.s32 $0xF080  }
0x215: {  	[hbm4b:s2+s3] =	stream.indirect_vreg.scatter [tilespmem:s26], [sflag:$0x1], $0x80, v3, vm0, $0xb8;
	[tilespmem:$0x10080] =	vst v63  }
.Ltmp0:
0x216: {  	s28 =	simm.s32 $0xF880;
	(pc) =	sbr.rel @p0 .LBB2_1-.Ltmp0, $4  }
0x217: {  	[hbm4b:s6+s3] =	stream.indirect_vreg.scatter [tilespmem:s28], [sflag:$0x1], $0x80, v3, vm0, $0xb8;
	[tilespmem:$0x10080] =	vst v63  }
0x218: {  	_ =	swait.ge [sflag:s16], $0x10000  }
0x219: {  	[sflag:s16] =	ssyncset.done $0x0  }
0x21a: {  	s7 =	sadd.s32 $0xFFFFFFFF, s7;
	[sflag:s16] =	ssyncadd.s32 $0xFFFF0000  }
0x21b: {  	_ =	sfence.sel $0x180000  }
0x21c: {  	[bflag:$0x0] =	sbarrier.arrive $0xFFFF  }
0x21d: {  	_ =	strace $0x90000047  }
0x21e: {  	s0 =	stileid.u32;
	[bflag:$0x2] =	sbarrier.arrive $0xFFFF  }
0x21f: {  	p0 =	sne.s32 s0, $0x0;
	s0 =	rddreg [dreg:$0x3]  }
0x220: {  	s0 =	sadd.s32 @!p0 $0x100000, s0  }
0x221: {  	[sflag:s0] =	ssyncadd.tile.s32 @!p0 $0x1;
	_ =	shalt  }
.Lfunc_end2:
_tile_overlayer_lowered:
.L_overlay_start_2:
0x222: {  	(tag) =	ssettag $0x2  }
0x223: {  	s0 =	rddreg [dreg:$0x0];
	s2 =	stileid.u32  }
0x224: {  	s1 =	rddreg [dreg:$0x1];
	p0 =	sne.s32 s2, $0x0  }
0x225: {  	s3 =	rddreg [dreg:$0x2];
	[bflag:$0x3] =	sbarrier.arrive $0xFFFF;
	s2 =	simm.s32 @!p0 $0x1C02  }
0x226: {  	[timem:s3], [sflag:s2] =	dma.local @!p0 [hbm:s0], s1  }
0x227: {  	s0 =	simm.s32 @!p0 $0x2  }
0x228: {  	_ =	swait.ge @!p0 [sflag:s0], s1  }
0x229: {  	s1 =	ssub.s32 @!p0 $0x0, s1;
	[sflag:s0] =	ssyncset.done @!p0 $0x0  }
0x22a: {  	[sflag:s0] =	ssyncadd.s32 @!p0 s1  }
0x22b: {  	[bflag:$0x3] =	sbarrier.arrive $0xFFFF  }
0x22c: {  	_ =	shalt  }

</sc_bundles>
